<compile_context>
chip_gen: v7x
topology: tpu7x:2x2x1
jax: 0.10.2.dev20260603
libtpu: 0.0.44.dev20260713+nightly
codegen_flags: <defaults>
</compile_context>

<pallas_src>
import functools

import jax
import jax.numpy as jnp
from jax import lax
from jax.experimental import pallas as pl
from jax.experimental.pallas import tpu as pltpu
from jax.experimental.pallas import tpu_sc as plsc

FEAT = 512
BATCH_K = 16384
LANES = 16
NC, NS = 2, 16
NW = NC * NS
ROWS_PER_W = BATCH_K // NW
CHUNK = 32
NCHUNK = ROWS_PER_W // CHUNK
VPR = FEAT // LANES


def _make_sc_kernel():
    mesh = plsc.VectorSubcoreMesh(core_axis_name="c", subcore_axis_name="s")

    @functools.partial(
        pl.kernel,
        out_type=jax.ShapeDtypeStruct((NW, LANES), jnp.float32),
        mesh=mesh,
        scratch_types=[
            pltpu.VMEM((ROWS_PER_W,), jnp.int32),
            pltpu.VMEM((CHUNK, FEAT), jnp.float32),
            pltpu.VMEM((CHUNK, FEAT), jnp.float32),
            pltpu.VMEM((CHUNK, FEAT), jnp.float32),
            pltpu.VMEM((CHUNK, FEAT), jnp.float32),
            pltpu.VMEM((LANES,), jnp.float32),
            pltpu.SemaphoreType.DMA,
            pltpu.SemaphoreType.DMA,
            pltpu.SemaphoreType.DMA,
            pltpu.SemaphoreType.DMA,
        ],
    )
    def k(feat_hbm, lab_hbm, cent_hbm, out_hbm,
          labs_v, rows0, rows1, feat0, feat1, acc_v,
          sg0, sg1, sf0, sf1):
        wid = lax.axis_index("s") * NC + lax.axis_index("c")
        base = wid * ROWS_PER_W
        rows_b = (rows0, rows1)
        feat_b = (feat0, feat1)
        sg = (sg0, sg1)
        sf = (sf0, sf1)

        pltpu.sync_copy(lab_hbm.at[pl.ds(base, ROWS_PER_W)], labs_v)

        def start(kc, b):
            off = base + kc * CHUNK
            pltpu.make_async_copy(
                cent_hbm.at[labs_v.at[pl.ds(kc * CHUNK, CHUNK)]],
                rows_b[b], sg[b]).start()
            pltpu.make_async_copy(
                feat_hbm.at[pl.ds(off, CHUNK)], feat_b[b], sf[b]).start()

        def wait(b):
            pltpu.make_async_copy(
                cent_hbm.at[labs_v.at[pl.ds(0, CHUNK)]], rows_b[b], sg[b]).wait()
            pltpu.make_async_copy(
                feat_hbm.at[pl.ds(0, CHUNK)], feat_b[b], sf[b]).wait()

        def compute(b, acc):
            fb, rb = feat_b[b], rows_b[b]

            def row_body(r, accs):
                accs = list(accs)
                for j in range(VPR):
                    f = fb[r, pl.ds(j * LANES, LANES)]
                    c = rb[r, pl.ds(j * LANES, LANES)]
                    d = f - c
                    accs[j % 4] = accs[j % 4] + d * d
                return tuple(accs)

            return lax.fori_loop(0, CHUNK, row_body, acc)

        start(0, 0)
        zero = jnp.zeros((LANES,), jnp.float32)
        acc = (zero, zero, zero, zero)

        def step(k2, acc):
            for b in range(2):
                kc = k2 * 2 + b

                @pl.when(kc + 1 < NCHUNK)
                def _():
                    start(kc + 1, (b + 1) % 2)

                wait(b)
                acc = compute(b, acc)
            return acc

        acc = lax.fori_loop(0, NCHUNK // 2, step, acc)
        acc_v[...] = (acc[0] + acc[1]) + (acc[2] + acc[3])
        pltpu.sync_copy(acc_v, out_hbm.at[wid])

    return k


_sc_kernel = _make_sc_kernel()


def kernel(features, labels, centers):
    partials = _sc_kernel(features, labels.astype(jnp.int32), centers)
    batch = features.shape[0]
    return jnp.sum(partials) * (0.003 / batch)

# --- scband reference (transcript-rebuilt; emitter-appended) ---
"""Pipeline reference for scband-center-loss-68324339744941 (READ-ONLY COPY).

The authoritative reference and input builder live on the scoring server;
editing this copy changes nothing except your own understanding.
"""

import jax, jax.numpy as jnp
import numpy as np

NUM_CLASSES = 100000
FEAT_DIM = 512
BATCH = 16384
LAMBDA_C = 0.003


def setup_inputs(seed: int = 0) -> dict:
    key = jax.random.key(seed)
    k1, k2, k3 = jax.random.split(key, 3)
    features = jax.random.normal(k1, (BATCH, FEAT_DIM), dtype=jnp.float32)
    labels = jax.random.randint(k2, (BATCH,), 0, NUM_CLASSES, dtype=jnp.int64)
    centers = jax.random.normal(k3, (NUM_CLASSES, FEAT_DIM), dtype=jnp.float32)
    return {"features": features, "labels": labels, "centers": centers}


def reference(features, labels, centers):
    batch_size = features.shape[0]
    centers_batch = jnp.take(centers, labels, axis=0)
    loss = jnp.sum(jnp.square(features - centers_batch)) / batch_size
    return loss * LAMBDA_C

if __name__ == "__main__":
    import jax
    _d = setup_inputs()
    print(jax.jit(kernel)(*tuple(_d.values())))

</pallas_src>

<mosaic_0001>
#map = affine_map<(d0, d1) -> (0, 0)>
#map1 = affine_map<(d0, d1) -> (0)>
module attributes {stable_mosaic.version = 14 : i64} {
  func.func @k(%arg0: i32, %arg1: i32, %arg2: memref<16384x512xf32, #tpu.memory_space<hbm>>, %arg3: memref<16384xi32, #tpu.memory_space<hbm>>, %arg4: memref<100000x512xf32, #tpu.memory_space<hbm>>, %arg5: memref<32x16xf32, #tpu.memory_space<hbm>>, %arg6: memref<512xi32, #tpu.memory_space<vmem>>, %arg7: memref<32x512xf32, #tpu.memory_space<vmem>>, %arg8: memref<32x512xf32, #tpu.memory_space<vmem>>, %arg9: memref<32x512xf32, #tpu.memory_space<vmem>>, %arg10: memref<32x512xf32, #tpu.memory_space<vmem>>, %arg11: memref<16xf32, #tpu.memory_space<vmem>>, %arg12: memref<!tpu.dma_semaphore, #tpu.memory_space<semaphore_mem>>, %arg13: memref<!tpu.dma_semaphore, #tpu.memory_space<semaphore_mem>>, %arg14: memref<!tpu.dma_semaphore, #tpu.memory_space<semaphore_mem>>, %arg15: memref<!tpu.dma_semaphore, #tpu.memory_space<semaphore_mem>>) attributes {dimension_semantics = [#tpu.dimension_semantics<core_parallel>, #tpu.dimension_semantics<subcore_parallel>], iteration_bounds = array<i64: 2, 16>, scalar_prefetch = 0 : i64, scratch_operands = 10 : i64, tpu.core_type = #tpu.core_type<sc_vector_subcore>, window_params = [{transform_indices = #map}, {transform_indices = #map1}, {transform_indices = #map}, {transform_indices = #map}]} {
    %mul3A = arith.constant 2 : i32
    %mul3A_0 = arith.muli %arg1, %mul3A : i32
    %add3A = arith.addi %mul3A_0, %arg0 : i32
    %mul3A_1 = arith.constant 512 : i32
    %mul3A_2 = arith.muli %add3A, %mul3A_1 : i32
    "tpu.region"() ({
      %run_scoped3A = tpu.sem_alloc : memref<!tpu.dma_semaphore, #tpu.memory_space<semaphore_mem>>
      %dma_start3A_25 = tpu.memref_slice %arg3[%mul3A_2] : memref<16384xi32, #tpu.memory_space<hbm>> -> memref<512xi32, #tpu.memory_space<hbm>>
      %dma_start3A_26 = tpu.memref_slice %arg3[%mul3A_2] : memref<16384xi32, #tpu.memory_space<hbm>> -> memref<512xi32, #tpu.memory_space<hbm>>
      tpu.enqueue_dma source(%dma_start3A_26 : memref<512xi32, #tpu.memory_space<hbm>>) target(%arg6 : memref<512xi32, #tpu.memory_space<vmem>>) target_semaphore(%run_scoped3A : memref<!tpu.dma_semaphore, #tpu.memory_space<semaphore_mem>>)
      %dma_wait3A = tpu.memref_slice %arg3[%mul3A_2] : memref<16384xi32, #tpu.memory_space<hbm>> -> memref<512xi32, #tpu.memory_space<hbm>>
      %dma_wait3A_27 = tpu.memref_slice %arg3[%mul3A_2] : memref<16384xi32, #tpu.memory_space<hbm>> -> memref<512xi32, #tpu.memory_space<hbm>>
      tpu.wait_dma2 semaphore(%run_scoped3A : memref<!tpu.dma_semaphore, #tpu.memory_space<semaphore_mem>>) src(%dma_wait3A_27 : memref<512xi32, #tpu.memory_space<hbm>>) dst(%arg6 : memref<512xi32, #tpu.memory_space<vmem>>)
      tpu.yield
    }) : () -> ()
    %add3A_3 = arith.constant 0 : i32
    %add3A_4 = arith.addi %mul3A_2, %add3A_3 : i32
    %dma_start3A = arith.constant 0 : i32
    %dma_start3A_5 = tpu.memref_slice %arg6[%dma_start3A] : memref<512xi32, #tpu.memory_space<vmem>> -> memref<32xi32, #tpu.memory_space<vmem>>
    %dma_start3A_6 = arith.constant 0 : i32
    %dma_start3A_7 = arith.constant 0 : i32
    %dma_start3A_8 = tpu.memref_slice %arg4[%dma_start3A_6, %dma_start3A_7] : memref<100000x512xf32, #tpu.memory_space<hbm>> -> memref<100000x512xf32, #tpu.memory_space<hbm>>
    tpu.enqueue_indirect_dma source(%dma_start3A_8 : memref<100000x512xf32, #tpu.memory_space<hbm>>) target(%arg7 : memref<32x512xf32, #tpu.memory_space<vmem>>) offsets(%dma_start3A_5 : memref<32xi32, #tpu.memory_space<vmem>>) semaphore(%arg12 : memref<!tpu.dma_semaphore, #tpu.memory_space<semaphore_mem>>)
    %dma_start3A_9 = arith.constant 0 : i32
    %dma_start3A_10 = tpu.memref_slice %arg2[%add3A_4, %dma_start3A_9] : memref<16384x512xf32, #tpu.memory_space<hbm>> -> memref<32x512xf32, #tpu.memory_space<hbm>>
    %dma_start3A_11 = arith.constant 0 : i32
    %dma_start3A_12 = tpu.memref_slice %arg2[%add3A_4, %dma_start3A_11] : memref<16384x512xf32, #tpu.memory_space<hbm>> -> memref<32x512xf32, #tpu.memory_space<hbm>>
    tpu.enqueue_dma source(%dma_start3A_12 : memref<32x512xf32, #tpu.memory_space<hbm>>) target(%arg9 : memref<32x512xf32, #tpu.memory_space<vmem>>) target_semaphore(%arg14 : memref<!tpu.dma_semaphore, #tpu.memory_space<semaphore_mem>>)
    %broadcast_in_dim3A = arith.constant 0.000000e+00 : f32
    %broadcast_in_dim3A_13 = vector.broadcast %broadcast_in_dim3A : f32 to vector<16xf32>
    %scan3A = arith.constant 0 : i32
    %scan3A_14 = arith.constant 8 : i32
    %scan3A_15 = arith.addi %scan3A, %scan3A_14 : i32
    %scan3A_16 = arith.constant 1 : i32
    %scan3A_17:4 = scf.for %scan3A_25 = %scan3A to %scan3A_15 step %scan3A_16 iter_args(%scan3A_26 = %broadcast_in_dim3A_13, %scan3A_27 = %broadcast_in_dim3A_13, %scan3A_28 = %broadcast_in_dim3A_13, %scan3A_29 = %broadcast_in_dim3A_13) -> (vector<16xf32>, vector<16xf32>, vector<16xf32>, vector<16xf32>)  : i32 {
      %mul3A_30 = arith.constant 2 : i32
      %mul3A_31 = arith.muli %scan3A_25, %mul3A_30 : i32
      %add3A_32 = arith.constant 0 : i32
      %add3A_33 = arith.addi %mul3A_31, %add3A_32 : i32
      %add3A_34 = arith.constant 1 : i32
      %add3A_35 = arith.addi %add3A_33, %add3A_34 : i32
      %lt3A = arith.constant 16 : i32
      %lt3A_36 = arith.cmpi slt, %add3A_35, %lt3A : i32
      %convert_element_type3A = arith.extui %lt3A_36 : i1 to i32
      %cond3A = arith.constant 0 : i32
      %cond3A_37 = arith.cmpi ne, %convert_element_type3A, %cond3A : i32
      scf.if %cond3A_37 {
        %add3A_82 = arith.constant 1 : i32
        %add3A_83 = arith.addi %add3A_33, %add3A_82 : i32
        %mul3A_84 = arith.constant 32 : i32
        %mul3A_85 = arith.muli %add3A_83, %mul3A_84 : i32
        %add3A_86 = arith.addi %mul3A_2, %mul3A_85 : i32
        %mul3A_87 = arith.constant 32 : i32
        %mul3A_88 = arith.muli %add3A_83, %mul3A_87 : i32
        %dma_start3A_89 = tpu.memref_slice %arg6[%mul3A_88] : memref<512xi32, #tpu.memory_space<vmem>> -> memref<32xi32, #tpu.memory_space<vmem>>
        %dma_start3A_90 = arith.constant 0 : i32
        %dma_start3A_91 = arith.constant 0 : i32
        %dma_start3A_92 = tpu.memref_slice %arg4[%dma_start3A_90, %dma_start3A_91] : memref<100000x512xf32, #tpu.memory_space<hbm>> -> memref<100000x512xf32, #tpu.memory_space<hbm>>
        tpu.enqueue_indirect_dma source(%dma_start3A_92 : memref<100000x512xf32, #tpu.memory_space<hbm>>) target(%arg8 : memref<32x512xf32, #tpu.memory_space<vmem>>) offsets(%dma_start3A_89 : memref<32xi32, #tpu.memory_space<vmem>>) semaphore(%arg13 : memref<!tpu.dma_semaphore, #tpu.memory_space<semaphore_mem>>)
        %dma_start3A_93 = arith.constant 0 : i32
        %dma_start3A_94 = tpu.memref_slice %arg2[%add3A_86, %dma_start3A_93] : memref<16384x512xf32, #tpu.memory_space<hbm>> -> memref<32x512xf32, #tpu.memory_space<hbm>>
        %dma_start3A_95 = arith.constant 0 : i32
        %dma_start3A_96 = tpu.memref_slice %arg2[%add3A_86, %dma_start3A_95] : memref<16384x512xf32, #tpu.memory_space<hbm>> -> memref<32x512xf32, #tpu.memory_space<hbm>>
        tpu.enqueue_dma source(%dma_start3A_96 : memref<32x512xf32, #tpu.memory_space<hbm>>) target(%arg10 : memref<32x512xf32, #tpu.memory_space<vmem>>) target_semaphore(%arg15 : memref<!tpu.dma_semaphore, #tpu.memory_space<semaphore_mem>>)
      } else {
      }
      %dma_wait3A = arith.constant 0 : i32
      %dma_wait3A_38 = tpu.memref_slice %arg6[%dma_wait3A] : memref<512xi32, #tpu.memory_space<vmem>> -> memref<32xi32, #tpu.memory_space<vmem>>
      %dma_wait3A_39 = arith.constant 0 : i32
      %dma_wait3A_40 = arith.constant 0 : i32
      %dma_wait3A_41 = tpu.memref_slice %arg4[%dma_wait3A_39, %dma_wait3A_40] : memref<100000x512xf32, #tpu.memory_space<hbm>> -> memref<100000x512xf32, #tpu.memory_space<hbm>>
      tpu.wait_indirect_dma semaphore(%arg12 : memref<!tpu.dma_semaphore, #tpu.memory_space<semaphore_mem>>) src(%dma_wait3A_41 : memref<100000x512xf32, #tpu.memory_space<hbm>>) dst(%arg7 : memref<32x512xf32, #tpu.memory_space<vmem>>)
      %dma_wait3A_42 = arith.constant 0 : i32
      %dma_wait3A_43 = arith.constant 0 : i32
      %dma_wait3A_44 = tpu.memref_slice %arg2[%dma_wait3A_42, %dma_wait3A_43] : memref<16384x512xf32, #tpu.memory_space<hbm>> -> memref<32x512xf32, #tpu.memory_space<hbm>>
      %dma_wait3A_45 = arith.constant 0 : i32
      %dma_wait3A_46 = arith.constant 0 : i32
      %dma_wait3A_47 = tpu.memref_slice %arg2[%dma_wait3A_45, %dma_wait3A_46] : memref<16384x512xf32, #tpu.memory_space<hbm>> -> memref<32x512xf32, #tpu.memory_space<hbm>>
      tpu.wait_dma2 semaphore(%arg14 : memref<!tpu.dma_semaphore, #tpu.memory_space<semaphore_mem>>) src(%dma_wait3A_47 : memref<32x512xf32, #tpu.memory_space<hbm>>) dst(%arg9 : memref<32x512xf32, #tpu.memory_space<vmem>>)
      %scan3A_48 = arith.constant 0 : i32
      %scan3A_49 = arith.constant 32 : i32
      %scan3A_50 = arith.addi %scan3A_48, %scan3A_49 : i32
      %scan3A_51 = arith.constant 1 : i32
      %scan3A_52:4 = scf.for %scan3A_82 = %scan3A_48 to %scan3A_50 step %scan3A_51 iter_args(%scan3A_83 = %scan3A_26, %scan3A_84 = %scan3A_27, %scan3A_85 = %scan3A_28, %scan3A_86 = %scan3A_29) -> (vector<16xf32>, vector<16xf32>, vector<16xf32>, vector<16xf32>)  : i32 {
        %get3A = arith.index_cast %scan3A_82 : i32 to index
        %get3A_87 = arith.constant 0 : index
        %get3A_88 = tpu.vector_load %arg9[%get3A, %get3A_87] {strides = array<i32>} : memref<32x512xf32, #tpu.memory_space<vmem>>, vector<1x16xf32>,
        %get3A_89 = vector.shape_cast %get3A_88 : vector<1x16xf32> to vector<16xf32>
        %get3A_90 = arith.index_cast %scan3A_82 : i32 to index
        %get3A_91 = arith.constant 0 : index
        %get3A_92 = tpu.vector_load %arg7[%get3A_90, %get3A_91] {strides = array<i32>} : memref<32x512xf32, #tpu.memory_space<vmem>>, vector<1x16xf32>,
        %get3A_93 = vector.shape_cast %get3A_92 : vector<1x16xf32> to vector<16xf32>
        %sub3A = arith.subf %get3A_89, %get3A_93 : vector<16xf32>
        %mul3A_94 = arith.mulf %sub3A, %sub3A : vector<16xf32>
        %add3A_95 = arith.addf %scan3A_83, %mul3A_94 : vector<16xf32>
        %get3A_96 = arith.index_cast %scan3A_82 : i32 to index
        %get3A_97 = arith.constant 16 : index
        %get3A_98 = tpu.vector_load %arg9[%get3A_96, %get3A_97] {strides = array<i32>} : memref<32x512xf32, #tpu.memory_space<vmem>>, vector<1x16xf32>,
        %get3A_99 = vector.shape_cast %get3A_98 : vector<1x16xf32> to vector<16xf32>
        %get3A_100 = arith.index_cast %scan3A_82 : i32 to index
        %get3A_101 = arith.constant 16 : index
        %get3A_102 = tpu.vector_load %arg7[%get3A_100, %get3A_101] {strides = array<i32>} : memref<32x512xf32, #tpu.memory_space<vmem>>, vector<1x16xf32>,
        %get3A_103 = vector.shape_cast %get3A_102 : vector<1x16xf32> to vector<16xf32>
        %sub3A_104 = arith.subf %get3A_99, %get3A_103 : vector<16xf32>
        %mul3A_105 = arith.mulf %sub3A_104, %sub3A_104 : vector<16xf32>
        %add3A_106 = arith.addf %scan3A_84, %mul3A_105 : vector<16xf32>
        %get3A_107 = arith.index_cast %scan3A_82 : i32 to index
        %get3A_108 = arith.constant 32 : index
        %get3A_109 = tpu.vector_load %arg9[%get3A_107, %get3A_108] {strides = array<i32>} : memref<32x512xf32, #tpu.memory_space<vmem>>, vector<1x16xf32>,
        %get3A_110 = vector.shape_cast %get3A_109 : vector<1x16xf32> to vector<16xf32>
        %get3A_111 = arith.index_cast %scan3A_82 : i32 to index
        %get3A_112 = arith.constant 32 : index
        %get3A_113 = tpu.vector_load %arg7[%get3A_111, %get3A_112] {strides = array<i32>} : memref<32x512xf32, #tpu.memory_space<vmem>>, vector<1x16xf32>,
        %get3A_114 = vector.shape_cast %get3A_113 : vector<1x16xf32> to vector<16xf32>
        %sub3A_115 = arith.subf %get3A_110, %get3A_114 : vector<16xf32>
        %mul3A_116 = arith.mulf %sub3A_115, %sub3A_115 : vector<16xf32>
        %add3A_117 = arith.addf %scan3A_85, %mul3A_116 : vector<16xf32>
        %get3A_118 = arith.index_cast %scan3A_82 : i32 to index
        %get3A_119 = arith.constant 48 : index
        %get3A_120 = tpu.vector_load %arg9[%get3A_118, %get3A_119] {strides = array<i32>} : memref<32x512xf32, #tpu.memory_space<vmem>>, vector<1x16xf32>,
        %get3A_121 = vector.shape_cast %get3A_120 : vector<1x16xf32> to vector<16xf32>
        %get3A_122 = arith.index_cast %scan3A_82 : i32 to index
        %get3A_123 = arith.constant 48 : index
        %get3A_124 = tpu.vector_load %arg7[%get3A_122, %get3A_123] {strides = array<i32>} : memref<32x512xf32, #tpu.memory_space<vmem>>, vector<1x16xf32>,
        %get3A_125 = vector.shape_cast %get3A_124 : vector<1x16xf32> to vector<16xf32>
        %sub3A_126 = arith.subf %get3A_121, %get3A_125 : vector<16xf32>
        %mul3A_127 = arith.mulf %sub3A_126, %sub3A_126 : vector<16xf32>
        %add3A_128 = arith.addf %scan3A_86, %mul3A_127 : vector<16xf32>
        %get3A_129 = arith.index_cast %scan3A_82 : i32 to index
        %get3A_130 = arith.constant 64 : index
        %get3A_131 = tpu.vector_load %arg9[%get3A_129, %get3A_130] {strides = array<i32>} : memref<32x512xf32, #tpu.memory_space<vmem>>, vector<1x16xf32>,
        %get3A_132 = vector.shape_cast %get3A_131 : vector<1x16xf32> to vector<16xf32>
        %get3A_133 = arith.index_cast %scan3A_82 : i32 to index
        %get3A_134 = arith.constant 64 : index
        %get3A_135 = tpu.vector_load %arg7[%get3A_133, %get3A_134] {strides = array<i32>} : memref<32x512xf32, #tpu.memory_space<vmem>>, vector<1x16xf32>,
        %get3A_136 = vector.shape_cast %get3A_135 : vector<1x16xf32> to vector<16xf32>
        %sub3A_137 = arith.subf %get3A_132, %get3A_136 : vector<16xf32>
        %mul3A_138 = arith.mulf %sub3A_137, %sub3A_137 : vector<16xf32>
        %add3A_139 = arith.addf %add3A_95, %mul3A_138 : vector<16xf32>
        %get3A_140 = arith.index_cast %scan3A_82 : i32 to index
        %get3A_141 = arith.constant 80 : index
        %get3A_142 = tpu.vector_load %arg9[%get3A_140, %get3A_141] {strides = array<i32>} : memref<32x512xf32, #tpu.memory_space<vmem>>, vector<1x16xf32>,
        %get3A_143 = vector.shape_cast %get3A_142 : vector<1x16xf32> to vector<16xf32>
        %get3A_144 = arith.index_cast %scan3A_82 : i32 to index
        %get3A_145 = arith.constant 80 : index
        %get3A_146 = tpu.vector_load %arg7[%get3A_144, %get3A_145] {strides = array<i32>} : memref<32x512xf32, #tpu.memory_space<vmem>>, vector<1x16xf32>,
        %get3A_147 = vector.shape_cast %get3A_146 : vector<1x16xf32> to vector<16xf32>
        %sub3A_148 = arith.subf %get3A_143, %get3A_147 : vector<16xf32>
        %mul3A_149 = arith.mulf %sub3A_148, %sub3A_148 : vector<16xf32>
        %add3A_150 = arith.addf %add3A_106, %mul3A_149 : vector<16xf32>
        %get3A_151 = arith.index_cast %scan3A_82 : i32 to index
        %get3A_152 = arith.constant 96 : index
        %get3A_153 = tpu.vector_load %arg9[%get3A_151, %get3A_152] {strides = array<i32>} : memref<32x512xf32, #tpu.memory_space<vmem>>, vector<1x16xf32>,
        %get3A_154 = vector.shape_cast %get3A_153 : vector<1x16xf32> to vector<16xf32>
        %get3A_155 = arith.index_cast %scan3A_82 : i32 to index
        %get3A_156 = arith.constant 96 : index
        %get3A_157 = tpu.vector_load %arg7[%get3A_155, %get3A_156] {strides = array<i32>} : memref<32x512xf32, #tpu.memory_space<vmem>>, vector<1x16xf32>,
        %get3A_158 = vector.shape_cast %get3A_157 : vector<1x16xf32> to vector<16xf32>
        %sub3A_159 = arith.subf %get3A_154, %get3A_158 : vector<16xf32>
        %mul3A_160 = arith.mulf %sub3A_159, %sub3A_159 : vector<16xf32>
        %add3A_161 = arith.addf %add3A_117, %mul3A_160 : vector<16xf32>
        %get3A_162 = arith.index_cast %scan3A_82 : i32 to index
        %get3A_163 = arith.constant 112 : index
        %get3A_164 = tpu.vector_load %arg9[%get3A_162, %get3A_163] {strides = array<i32>} : memref<32x512xf32, #tpu.memory_space<vmem>>, vector<1x16xf32>,
        %get3A_165 = vector.shape_cast %get3A_164 : vector<1x16xf32> to vector<16xf32>
        %get3A_166 = arith.index_cast %scan3A_82 : i32 to index
        %get3A_167 = arith.constant 112 : index
        %get3A_168 = tpu.vector_load %arg7[%get3A_166, %get3A_167] {strides = array<i32>} : memref<32x512xf32, #tpu.memory_space<vmem>>, vector<1x16xf32>,
        %get3A_169 = vector.shape_cast %get3A_168 : vector<1x16xf32> to vector<16xf32>
        %sub3A_170 = arith.subf %get3A_165, %get3A_169 : vector<16xf32>
        %mul3A_171 = arith.mulf %sub3A_170, %sub3A_170 : vector<16xf32>
        %add3A_172 = arith.addf %add3A_128, %mul3A_171 : vector<16xf32>
        %get3A_173 = arith.index_cast %scan3A_82 : i32 to index
        %get3A_174 = arith.constant 128 : index
        %get3A_175 = tpu.vector_load %arg9[%get3A_173, %get3A_174] {strides = array<i32>} : memref<32x512xf32, #tpu.memory_space<vmem>>, vector<1x16xf32>,
        %get3A_176 = vector.shape_cast %get3A_175 : vector<1x16xf32> to vector<16xf32>
        %get3A_177 = arith.index_cast %scan3A_82 : i32 to index
        %get3A_178 = arith.constant 128 : index
        %get3A_179 = tpu.vector_load %arg7[%get3A_177, %get3A_178] {strides = array<i32>} : memref<32x512xf32, #tpu.memory_space<vmem>>, vector<1x16xf32>,
        %get3A_180 = vector.shape_cast %get3A_179 : vector<1x16xf32> to vector<16xf32>
        %sub3A_181 = arith.subf %get3A_176, %get3A_180 : vector<16xf32>
        %mul3A_182 = arith.mulf %sub3A_181, %sub3A_181 : vector<16xf32>
        %add3A_183 = arith.addf %add3A_139, %mul3A_182 : vector<16xf32>
        %get3A_184 = arith.index_cast %scan3A_82 : i32 to index
        %get3A_185 = arith.constant 144 : index
        %get3A_186 = tpu.vector_load %arg9[%get3A_184, %get3A_185] {strides = array<i32>} : memref<32x512xf32, #tpu.memory_space<vmem>>, vector<1x16xf32>,
        %get3A_187 = vector.shape_cast %get3A_186 : vector<1x16xf32> to vector<16xf32>
        %get3A_188 = arith.index_cast %scan3A_82 : i32 to index
        %get3A_189 = arith.constant 144 : index
        %get3A_190 = tpu.vector_load %arg7[%get3A_188, %get3A_189] {strides = array<i32>} : memref<32x512xf32, #tpu.memory_space<vmem>>, vector<1x16xf32>,
        %get3A_191 = vector.shape_cast %get3A_190 : vector<1x16xf32> to vector<16xf32>
        %sub3A_192 = arith.subf %get3A_187, %get3A_191 : vector<16xf32>
        %mul3A_193 = arith.mulf %sub3A_192, %sub3A_192 : vector<16xf32>
        %add3A_194 = arith.addf %add3A_150, %mul3A_193 : vector<16xf32>
        %get3A_195 = arith.index_cast %scan3A_82 : i32 to index
        %get3A_196 = arith.constant 160 : index
        %get3A_197 = tpu.vector_load %arg9[%get3A_195, %get3A_196] {strides = array<i32>} : memref<32x512xf32, #tpu.memory_space<vmem>>, vector<1x16xf32>,
        %get3A_198 = vector.shape_cast %get3A_197 : vector<1x16xf32> to vector<16xf32>
        %get3A_199 = arith.index_cast %scan3A_82 : i32 to index
        %get3A_200 = arith.constant 160 : index
        %get3A_201 = tpu.vector_load %arg7[%get3A_199, %get3A_200] {strides = array<i32>} : memref<32x512xf32, #tpu.memory_space<vmem>>, vector<1x16xf32>,
        %get3A_202 = vector.shape_cast %get3A_201 : vector<1x16xf32> to vector<16xf32>
        %sub3A_203 = arith.subf %get3A_198, %get3A_202 : vector<16xf32>
        %mul3A_204 = arith.mulf %sub3A_203, %sub3A_203 : vector<16xf32>
        %add3A_205 = arith.addf %add3A_161, %mul3A_204 : vector<16xf32>
        %get3A_206 = arith.index_cast %scan3A_82 : i32 to index
        %get3A_207 = arith.constant 176 : index
        %get3A_208 = tpu.vector_load %arg9[%get3A_206, %get3A_207] {strides = array<i32>} : memref<32x512xf32, #tpu.memory_space<vmem>>, vector<1x16xf32>,
        %get3A_209 = vector.shape_cast %get3A_208 : vector<1x16xf32> to vector<16xf32>
        %get3A_210 = arith.index_cast %scan3A_82 : i32 to index
        %get3A_211 = arith.constant 176 : index
        %get3A_212 = tpu.vector_load %arg7[%get3A_210, %get3A_211] {strides = array<i32>} : memref<32x512xf32, #tpu.memory_space<vmem>>, vector<1x16xf32>,
        %get3A_213 = vector.shape_cast %get3A_212 : vector<1x16xf32> to vector<16xf32>
        %sub3A_214 = arith.subf %get3A_209, %get3A_213 : vector<16xf32>
        %mul3A_215 = arith.mulf %sub3A_214, %sub3A_214 : vector<16xf32>
        %add3A_216 = arith.addf %add3A_172, %mul3A_215 : vector<16xf32>
        %get3A_217 = arith.index_cast %scan3A_82 : i32 to index
        %get3A_218 = arith.constant 192 : index
        %get3A_219 = tpu.vector_load %arg9[%get3A_217, %get3A_218] {strides = array<i32>} : memref<32x512xf32, #tpu.memory_space<vmem>>, vector<1x16xf32>,
        %get3A_220 = vector.shape_cast %get3A_219 : vector<1x16xf32> to vector<16xf32>
        %get3A_221 = arith.index_cast %scan3A_82 : i32 to index
        %get3A_222 = arith.constant 192 : index
        %get3A_223 = tpu.vector_load %arg7[%get3A_221, %get3A_222] {strides = array<i32>} : memref<32x512xf32, #tpu.memory_space<vmem>>, vector<1x16xf32>,
        %get3A_224 = vector.shape_cast %get3A_223 : vector<1x16xf32> to vector<16xf32>
        %sub3A_225 = arith.subf %get3A_220, %get3A_224 : vector<16xf32>
        %mul3A_226 = arith.mulf %sub3A_225, %sub3A_225 : vector<16xf32>
        %add3A_227 = arith.addf %add3A_183, %mul3A_226 : vector<16xf32>
        %get3A_228 = arith.index_cast %scan3A_82 : i32 to index
        %get3A_229 = arith.constant 208 : index
        %get3A_230 = tpu.vector_load %arg9[%get3A_228, %get3A_229] {strides = array<i32>} : memref<32x512xf32, #tpu.memory_space<vmem>>, vector<1x16xf32>,
        %get3A_231 = vector.shape_cast %get3A_230 : vector<1x16xf32> to vector<16xf32>
        %get3A_232 = arith.index_cast %scan3A_82 : i32 to index
        %get3A_233 = arith.constant 208 : index
        %get3A_234 = tpu.vector_load %arg7[%get3A_232, %get3A_233] {strides = array<i32>} : memref<32x512xf32, #tpu.memory_space<vmem>>, vector<1x16xf32>,
        %get3A_235 = vector.shape_cast %get3A_234 : vector<1x16xf32> to vector<16xf32>
        %sub3A_236 = arith.subf %get3A_231, %get3A_235 : vector<16xf32>
        %mul3A_237 = arith.mulf %sub3A_236, %sub3A_236 : vector<16xf32>
        %add3A_238 = arith.addf %add3A_194, %mul3A_237 : vector<16xf32>
        %get3A_239 = arith.index_cast %scan3A_82 : i32 to index
        %get3A_240 = arith.constant 224 : index
        %get3A_241 = tpu.vector_load %arg9[%get3A_239, %get3A_240] {strides = array<i32>} : memref<32x512xf32, #tpu.memory_space<vmem>>, vector<1x16xf32>,
        %get3A_242 = vector.shape_cast %get3A_241 : vector<1x16xf32> to vector<16xf32>
        %get3A_243 = arith.index_cast %scan3A_82 : i32 to index
        %get3A_244 = arith.constant 224 : index
        %get3A_245 = tpu.vector_load %arg7[%get3A_243, %get3A_244] {strides = array<i32>} : memref<32x512xf32, #tpu.memory_space<vmem>>, vector<1x16xf32>,
        %get3A_246 = vector.shape_cast %get3A_245 : vector<1x16xf32> to vector<16xf32>
        %sub3A_247 = arith.subf %get3A_242, %get3A_246 : vector<16xf32>
        %mul3A_248 = arith.mulf %sub3A_247, %sub3A_247 : vector<16xf32>
        %add3A_249 = arith.addf %add3A_205, %mul3A_248 : vector<16xf32>
        %get3A_250 = arith.index_cast %scan3A_82 : i32 to index
        %get3A_251 = arith.constant 240 : index
        %get3A_252 = tpu.vector_load %arg9[%get3A_250, %get3A_251] {strides = array<i32>} : memref<32x512xf32, #tpu.memory_space<vmem>>, vector<1x16xf32>,
        %get3A_253 = vector.shape_cast %get3A_252 : vector<1x16xf32> to vector<16xf32>
        %get3A_254 = arith.index_cast %scan3A_82 : i32 to index
        %get3A_255 = arith.constant 240 : index
        %get3A_256 = tpu.vector_load %arg7[%get3A_254, %get3A_255] {strides = array<i32>} : memref<32x512xf32, #tpu.memory_space<vmem>>, vector<1x16xf32>,
        %get3A_257 = vector.shape_cast %get3A_256 : vector<1x16xf32> to vector<16xf32>
        %sub3A_258 = arith.subf %get3A_253, %get3A_257 : vector<16xf32>
        %mul3A_259 = arith.mulf %sub3A_258, %sub3A_258 : vector<16xf32>
        %add3A_260 = arith.addf %add3A_216, %mul3A_259 : vector<16xf32>
        %get3A_261 = arith.index_cast %scan3A_82 : i32 to index
        %get3A_262 = arith.constant 256 : index
        %get3A_263 = tpu.vector_load %arg9[%get3A_261, %get3A_262] {strides = array<i32>} : memref<32x512xf32, #tpu.memory_space<vmem>>, vector<1x16xf32>,
        %get3A_264 = vector.shape_cast %get3A_263 : vector<1x16xf32> to vector<16xf32>
        %get3A_265 = arith.index_cast %scan3A_82 : i32 to index
        %get3A_266 = arith.constant 256 : index
        %get3A_267 = tpu.vector_load %arg7[%get3A_265, %get3A_266] {strides = array<i32>} : memref<32x512xf32, #tpu.memory_space<vmem>>, vector<1x16xf32>,
        %get3A_268 = vector.shape_cast %get3A_267 : vector<1x16xf32> to vector<16xf32>
        %sub3A_269 = arith.subf %get3A_264, %get3A_268 : vector<16xf32>
        %mul3A_270 = arith.mulf %sub3A_269, %sub3A_269 : vector<16xf32>
        %add3A_271 = arith.addf %add3A_227, %mul3A_270 : vector<16xf32>
        %get3A_272 = arith.index_cast %scan3A_82 : i32 to index
        %get3A_273 = arith.constant 272 : index
        %get3A_274 = tpu.vector_load %arg9[%get3A_272, %get3A_273] {strides = array<i32>} : memref<32x512xf32, #tpu.memory_space<vmem>>, vector<1x16xf32>,
        %get3A_275 = vector.shape_cast %get3A_274 : vector<1x16xf32> to vector<16xf32>
        %get3A_276 = arith.index_cast %scan3A_82 : i32 to index
        %get3A_277 = arith.constant 272 : index
        %get3A_278 = tpu.vector_load %arg7[%get3A_276, %get3A_277] {strides = array<i32>} : memref<32x512xf32, #tpu.memory_space<vmem>>, vector<1x16xf32>,
        %get3A_279 = vector.shape_cast %get3A_278 : vector<1x16xf32> to vector<16xf32>
        %sub3A_280 = arith.subf %get3A_275, %get3A_279 : vector<16xf32>
        %mul3A_281 = arith.mulf %sub3A_280, %sub3A_280 : vector<16xf32>
        %add3A_282 = arith.addf %add3A_238, %mul3A_281 : vector<16xf32>
        %get3A_283 = arith.index_cast %scan3A_82 : i32 to index
        %get3A_284 = arith.constant 288 : index
        %get3A_285 = tpu.vector_load %arg9[%get3A_283, %get3A_284] {strides = array<i32>} : memref<32x512xf32, #tpu.memory_space<vmem>>, vector<1x16xf32>,
        %get3A_286 = vector.shape_cast %get3A_285 : vector<1x16xf32> to vector<16xf32>
        %get3A_287 = arith.index_cast %scan3A_82 : i32 to index
        %get3A_288 = arith.constant 288 : index
        %get3A_289 = tpu.vector_load %arg7[%get3A_287, %get3A_288] {strides = array<i32>} : memref<32x512xf32, #tpu.memory_space<vmem>>, vector<1x16xf32>,
        %get3A_290 = vector.shape_cast %get3A_289 : vector<1x16xf32> to vector<16xf32>
        %sub3A_291 = arith.subf %get3A_286, %get3A_290 : vector<16xf32>
        %mul3A_292 = arith.mulf %sub3A_291, %sub3A_291 : vector<16xf32>
        %add3A_293 = arith.addf %add3A_249, %mul3A_292 : vector<16xf32>
        %get3A_294 = arith.index_cast %scan3A_82 : i32 to index
        %get3A_295 = arith.constant 304 : index
        %get3A_296 = tpu.vector_load %arg9[%get3A_294, %get3A_295] {strides = array<i32>} : memref<32x512xf32, #tpu.memory_space<vmem>>, vector<1x16xf32>,
        %get3A_297 = vector.shape_cast %get3A_296 : vector<1x16xf32> to vector<16xf32>
        %get3A_298 = arith.index_cast %scan3A_82 : i32 to index
        %get3A_299 = arith.constant 304 : index
        %get3A_300 = tpu.vector_load %arg7[%get3A_298, %get3A_299] {strides = array<i32>} : memref<32x512xf32, #tpu.memory_space<vmem>>, vector<1x16xf32>,
        %get3A_301 = vector.shape_cast %get3A_300 : vector<1x16xf32> to vector<16xf32>
        %sub3A_302 = arith.subf %get3A_297, %get3A_301 : vector<16xf32>
        %mul3A_303 = arith.mulf %sub3A_302, %sub3A_302 : vector<16xf32>
        %add3A_304 = arith.addf %add3A_260, %mul3A_303 : vector<16xf32>
        %get3A_305 = arith.index_cast %scan3A_82 : i32 to index
        %get3A_306 = arith.constant 320 : index
        %get3A_307 = tpu.vector_load %arg9[%get3A_305, %get3A_306] {strides = array<i32>} : memref<32x512xf32, #tpu.memory_space<vmem>>, vector<1x16xf32>,
        %get3A_308 = vector.shape_cast %get3A_307 : vector<1x16xf32> to vector<16xf32>
        %get3A_309 = arith.index_cast %scan3A_82 : i32 to index
        %get3A_310 = arith.constant 320 : index
        %get3A_311 = tpu.vector_load %arg7[%get3A_309, %get3A_310] {strides = array<i32>} : memref<32x512xf32, #tpu.memory_space<vmem>>, vector<1x16xf32>,
        %get3A_312 = vector.shape_cast %get3A_311 : vector<1x16xf32> to vector<16xf32>
        %sub3A_313 = arith.subf %get3A_308, %get3A_312 : vector<16xf32>
        %mul3A_314 = arith.mulf %sub3A_313, %sub3A_313 : vector<16xf32>
        %add3A_315 = arith.addf %add3A_271, %mul3A_314 : vector<16xf32>
        %get3A_316 = arith.index_cast %scan3A_82 : i32 to index
        %get3A_317 = arith.constant 336 : index
        %get3A_318 = tpu.vector_load %arg9[%get3A_316, %get3A_317] {strides = array<i32>} : memref<32x512xf32, #tpu.memory_space<vmem>>, vector<1x16xf32>,
        %get3A_319 = vector.shape_cast %get3A_318 : vector<1x16xf32> to vector<16xf32>
        %get3A_320 = arith.index_cast %scan3A_82 : i32 to index
        %get3A_321 = arith.constant 336 : index
        %get3A_322 = tpu.vector_load %arg7[%get3A_320, %get3A_321] {strides = array<i32>} : memref<32x512xf32, #tpu.memory_space<vmem>>, vector<1x16xf32>,
        %get3A_323 = vector.shape_cast %get3A_322 : vector<1x16xf32> to vector<16xf32>
        %sub3A_324 = arith.subf %get3A_319, %get3A_323 : vector<16xf32>
        %mul3A_325 = arith.mulf %sub3A_324, %sub3A_324 : vector<16xf32>
        %add3A_326 = arith.addf %add3A_282, %mul3A_325 : vector<16xf32>
        %get3A_327 = arith.index_cast %scan3A_82 : i32 to index
        %get3A_328 = arith.constant 352 : index
        %get3A_329 = tpu.vector_load %arg9[%get3A_327, %get3A_328] {strides = array<i32>} : memref<32x512xf32, #tpu.memory_space<vmem>>, vector<1x16xf32>,
        %get3A_330 = vector.shape_cast %get3A_329 : vector<1x16xf32> to vector<16xf32>
        %get3A_331 = arith.index_cast %scan3A_82 : i32 to index
        %get3A_332 = arith.constant 352 : index
        %get3A_333 = tpu.vector_load %arg7[%get3A_331, %get3A_332] {strides = array<i32>} : memref<32x512xf32, #tpu.memory_space<vmem>>, vector<1x16xf32>,
        %get3A_334 = vector.shape_cast %get3A_333 : vector<1x16xf32> to vector<16xf32>
        %sub3A_335 = arith.subf %get3A_330, %get3A_334 : vector<16xf32>
        %mul3A_336 = arith.mulf %sub3A_335, %sub3A_335 : vector<16xf32>
        %add3A_337 = arith.addf %add3A_293, %mul3A_336 : vector<16xf32>
        %get3A_338 = arith.index_cast %scan3A_82 : i32 to index
        %get3A_339 = arith.constant 368 : index
        %get3A_340 = tpu.vector_load %arg9[%get3A_338, %get3A_339] {strides = array<i32>} : memref<32x512xf32, #tpu.memory_space<vmem>>, vector<1x16xf32>,
        %get3A_341 = vector.shape_cast %get3A_340 : vector<1x16xf32> to vector<16xf32>
        %get3A_342 = arith.index_cast %scan3A_82 : i32 to index
        %get3A_343 = arith.constant 368 : index
        %get3A_344 = tpu.vector_load %arg7[%get3A_342, %get3A_343] {strides = array<i32>} : memref<32x512xf32, #tpu.memory_space<vmem>>, vector<1x16xf32>,
        %get3A_345 = vector.shape_cast %get3A_344 : vector<1x16xf32> to vector<16xf32>
        %sub3A_346 = arith.subf %get3A_341, %get3A_345 : vector<16xf32>
        %mul3A_347 = arith.mulf %sub3A_346, %sub3A_346 : vector<16xf32>
        %add3A_348 = arith.addf %add3A_304, %mul3A_347 : vector<16xf32>
        %get3A_349 = arith.index_cast %scan3A_82 : i32 to index
        %get3A_350 = arith.constant 384 : index
        %get3A_351 = tpu.vector_load %arg9[%get3A_349, %get3A_350] {strides = array<i32>} : memref<32x512xf32, #tpu.memory_space<vmem>>, vector<1x16xf32>,
        %get3A_352 = vector.shape_cast %get3A_351 : vector<1x16xf32> to vector<16xf32>
        %get3A_353 = arith.index_cast %scan3A_82 : i32 to index
        %get3A_354 = arith.constant 384 : index
        %get3A_355 = tpu.vector_load %arg7[%get3A_353, %get3A_354] {strides = array<i32>} : memref<32x512xf32, #tpu.memory_space<vmem>>, vector<1x16xf32>,
        %get3A_356 = vector.shape_cast %get3A_355 : vector<1x16xf32> to vector<16xf32>
        %sub3A_357 = arith.subf %get3A_352, %get3A_356 : vector<16xf32>
        %mul3A_358 = arith.mulf %sub3A_357, %sub3A_357 : vector<16xf32>
        %add3A_359 = arith.addf %add3A_315, %mul3A_358 : vector<16xf32>
        %get3A_360 = arith.index_cast %scan3A_82 : i32 to index
        %get3A_361 = arith.constant 400 : index
        %get3A_362 = tpu.vector_load %arg9[%get3A_360, %get3A_361] {strides = array<i32>} : memref<32x512xf32, #tpu.memory_space<vmem>>, vector<1x16xf32>,
        %get3A_363 = vector.shape_cast %get3A_362 : vector<1x16xf32> to vector<16xf32>
        %get3A_364 = arith.index_cast %scan3A_82 : i32 to index
        %get3A_365 = arith.constant 400 : index
        %get3A_366 = tpu.vector_load %arg7[%get3A_364, %get3A_365] {strides = array<i32>} : memref<32x512xf32, #tpu.memory_space<vmem>>, vector<1x16xf32>,
        %get3A_367 = vector.shape_cast %get3A_366 : vector<1x16xf32> to vector<16xf32>
        %sub3A_368 = arith.subf %get3A_363, %get3A_367 : vector<16xf32>
        %mul3A_369 = arith.mulf %sub3A_368, %sub3A_368 : vector<16xf32>
        %add3A_370 = arith.addf %add3A_326, %mul3A_369 : vector<16xf32>
        %get3A_371 = arith.index_cast %scan3A_82 : i32 to index
        %get3A_372 = arith.constant 416 : index
        %get3A_373 = tpu.vector_load %arg9[%get3A_371, %get3A_372] {strides = array<i32>} : memref<32x512xf32, #tpu.memory_space<vmem>>, vector<1x16xf32>,
        %get3A_374 = vector.shape_cast %get3A_373 : vector<1x16xf32> to vector<16xf32>
        %get3A_375 = arith.index_cast %scan3A_82 : i32 to index
        %get3A_376 = arith.constant 416 : index
        %get3A_377 = tpu.vector_load %arg7[%get3A_375, %get3A_376] {strides = array<i32>} : memref<32x512xf32, #tpu.memory_space<vmem>>, vector<1x16xf32>,
        %get3A_378 = vector.shape_cast %get3A_377 : vector<1x16xf32> to vector<16xf32>
        %sub3A_379 = arith.subf %get3A_374, %get3A_378 : vector<16xf32>
        %mul3A_380 = arith.mulf %sub3A_379, %sub3A_379 : vector<16xf32>
        %add3A_381 = arith.addf %add3A_337, %mul3A_380 : vector<16xf32>
        %get3A_382 = arith.index_cast %scan3A_82 : i32 to index
        %get3A_383 = arith.constant 432 : index
        %get3A_384 = tpu.vector_load %arg9[%get3A_382, %get3A_383] {strides = array<i32>} : memref<32x512xf32, #tpu.memory_space<vmem>>, vector<1x16xf32>,
        %get3A_385 = vector.shape_cast %get3A_384 : vector<1x16xf32> to vector<16xf32>
        %get3A_386 = arith.index_cast %scan3A_82 : i32 to index
        %get3A_387 = arith.constant 432 : index
        %get3A_388 = tpu.vector_load %arg7[%get3A_386, %get3A_387] {strides = array<i32>} : memref<32x512xf32, #tpu.memory_space<vmem>>, vector<1x16xf32>,
        %get3A_389 = vector.shape_cast %get3A_388 : vector<1x16xf32> to vector<16xf32>
        %sub3A_390 = arith.subf %get3A_385, %get3A_389 : vector<16xf32>
        %mul3A_391 = arith.mulf %sub3A_390, %sub3A_390 : vector<16xf32>
        %add3A_392 = arith.addf %add3A_348, %mul3A_391 : vector<16xf32>
        %get3A_393 = arith.index_cast %scan3A_82 : i32 to index
        %get3A_394 = arith.constant 448 : index
        %get3A_395 = tpu.vector_load %arg9[%get3A_393, %get3A_394] {strides = array<i32>} : memref<32x512xf32, #tpu.memory_space<vmem>>, vector<1x16xf32>,
        %get3A_396 = vector.shape_cast %get3A_395 : vector<1x16xf32> to vector<16xf32>
        %get3A_397 = arith.index_cast %scan3A_82 : i32 to index
        %get3A_398 = arith.constant 448 : index
        %get3A_399 = tpu.vector_load %arg7[%get3A_397, %get3A_398] {strides = array<i32>} : memref<32x512xf32, #tpu.memory_space<vmem>>, vector<1x16xf32>,
        %get3A_400 = vector.shape_cast %get3A_399 : vector<1x16xf32> to vector<16xf32>
        %sub3A_401 = arith.subf %get3A_396, %get3A_400 : vector<16xf32>
        %mul3A_402 = arith.mulf %sub3A_401, %sub3A_401 : vector<16xf32>
        %add3A_403 = arith.addf %add3A_359, %mul3A_402 : vector<16xf32>
        %get3A_404 = arith.index_cast %scan3A_82 : i32 to index
        %get3A_405 = arith.constant 464 : index
        %get3A_406 = tpu.vector_load %arg9[%get3A_404, %get3A_405] {strides = array<i32>} : memref<32x512xf32, #tpu.memory_space<vmem>>, vector<1x16xf32>,
        %get3A_407 = vector.shape_cast %get3A_406 : vector<1x16xf32> to vector<16xf32>
        %get3A_408 = arith.index_cast %scan3A_82 : i32 to index
        %get3A_409 = arith.constant 464 : index
        %get3A_410 = tpu.vector_load %arg7[%get3A_408, %get3A_409] {strides = array<i32>} : memref<32x512xf32, #tpu.memory_space<vmem>>, vector<1x16xf32>,
        %get3A_411 = vector.shape_cast %get3A_410 : vector<1x16xf32> to vector<16xf32>
        %sub3A_412 = arith.subf %get3A_407, %get3A_411 : vector<16xf32>
        %mul3A_413 = arith.mulf %sub3A_412, %sub3A_412 : vector<16xf32>
        %add3A_414 = arith.addf %add3A_370, %mul3A_413 : vector<16xf32>
        %get3A_415 = arith.index_cast %scan3A_82 : i32 to index
        %get3A_416 = arith.constant 480 : index
        %get3A_417 = tpu.vector_load %arg9[%get3A_415, %get3A_416] {strides = array<i32>} : memref<32x512xf32, #tpu.memory_space<vmem>>, vector<1x16xf32>,
        %get3A_418 = vector.shape_cast %get3A_417 : vector<1x16xf32> to vector<16xf32>
        %get3A_419 = arith.index_cast %scan3A_82 : i32 to index
        %get3A_420 = arith.constant 480 : index
        %get3A_421 = tpu.vector_load %arg7[%get3A_419, %get3A_420] {strides = array<i32>} : memref<32x512xf32, #tpu.memory_space<vmem>>, vector<1x16xf32>,
        %get3A_422 = vector.shape_cast %get3A_421 : vector<1x16xf32> to vector<16xf32>
        %sub3A_423 = arith.subf %get3A_418, %get3A_422 : vector<16xf32>
        %mul3A_424 = arith.mulf %sub3A_423, %sub3A_423 : vector<16xf32>
        %add3A_425 = arith.addf %add3A_381, %mul3A_424 : vector<16xf32>
        %get3A_426 = arith.index_cast %scan3A_82 : i32 to index
        %get3A_427 = arith.constant 496 : index
        %get3A_428 = tpu.vector_load %arg9[%get3A_426, %get3A_427] {strides = array<i32>} : memref<32x512xf32, #tpu.memory_space<vmem>>, vector<1x16xf32>,
        %get3A_429 = vector.shape_cast %get3A_428 : vector<1x16xf32> to vector<16xf32>
        %get3A_430 = arith.index_cast %scan3A_82 : i32 to index
        %get3A_431 = arith.constant 496 : index
        %get3A_432 = tpu.vector_load %arg7[%get3A_430, %get3A_431] {strides = array<i32>} : memref<32x512xf32, #tpu.memory_space<vmem>>, vector<1x16xf32>,
        %get3A_433 = vector.shape_cast %get3A_432 : vector<1x16xf32> to vector<16xf32>
        %sub3A_434 = arith.subf %get3A_429, %get3A_433 : vector<16xf32>
        %mul3A_435 = arith.mulf %sub3A_434, %sub3A_434 : vector<16xf32>
        %add3A_436 = arith.addf %add3A_392, %mul3A_435 : vector<16xf32>
        scf.yield %add3A_403, %add3A_414, %add3A_425, %add3A_436 : vector<16xf32>, vector<16xf32>, vector<16xf32>, vector<16xf32>
      }
      %scan3A_53 = arith.constant 32 : i32
      %mul3A_54 = arith.constant 2 : i32
      %mul3A_55 = arith.muli %scan3A_25, %mul3A_54 : i32
      %add3A_56 = arith.constant 1 : i32
      %add3A_57 = arith.addi %mul3A_55, %add3A_56 : i32
      %add3A_58 = arith.constant 1 : i32
      %add3A_59 = arith.addi %add3A_57, %add3A_58 : i32
      %lt3A_60 = arith.constant 16 : i32
      %lt3A_61 = arith.cmpi slt, %add3A_59, %lt3A_60 : i32
      %convert_element_type3A_62 = arith.extui %lt3A_61 : i1 to i32
      %cond3A_63 = arith.constant 0 : i32
      %cond3A_64 = arith.cmpi ne, %convert_element_type3A_62, %cond3A_63 : i32
      scf.if %cond3A_64 {
        %add3A_82 = arith.constant 1 : i32
        %add3A_83 = arith.addi %add3A_57, %add3A_82 : i32
        %mul3A_84 = arith.constant 32 : i32
        %mul3A_85 = arith.muli %add3A_83, %mul3A_84 : i32
        %add3A_86 = arith.addi %mul3A_2, %mul3A_85 : i32
        %mul3A_87 = arith.constant 32 : i32
        %mul3A_88 = arith.muli %add3A_83, %mul3A_87 : i32
        %dma_start3A_89 = tpu.memref_slice %arg6[%mul3A_88] : memref<512xi32, #tpu.memory_space<vmem>> -> memref<32xi32, #tpu.memory_space<vmem>>
        %dma_start3A_90 = arith.constant 0 : i32
        %dma_start3A_91 = arith.constant 0 : i32
        %dma_start3A_92 = tpu.memref_slice %arg4[%dma_start3A_90, %dma_start3A_91] : memref<100000x512xf32, #tpu.memory_space<hbm>> -> memref<100000x512xf32, #tpu.memory_space<hbm>>
        tpu.enqueue_indirect_dma source(%dma_start3A_92 : memref<100000x512xf32, #tpu.memory_space<hbm>>) target(%arg7 : memref<32x512xf32, #tpu.memory_space<vmem>>) offsets(%dma_start3A_89 : memref<32xi32, #tpu.memory_space<vmem>>) semaphore(%arg12 : memref<!tpu.dma_semaphore, #tpu.memory_space<semaphore_mem>>)
        %dma_start3A_93 = arith.constant 0 : i32
        %dma_start3A_94 = tpu.memref_slice %arg2[%add3A_86, %dma_start3A_93] : memref<16384x512xf32, #tpu.memory_space<hbm>> -> memref<32x512xf32, #tpu.memory_space<hbm>>
        %dma_start3A_95 = arith.constant 0 : i32
        %dma_start3A_96 = tpu.memref_slice %arg2[%add3A_86, %dma_start3A_95] : memref<16384x512xf32, #tpu.memory_space<hbm>> -> memref<32x512xf32, #tpu.memory_space<hbm>>
        tpu.enqueue_dma source(%dma_start3A_96 : memref<32x512xf32, #tpu.memory_space<hbm>>) target(%arg9 : memref<32x512xf32, #tpu.memory_space<vmem>>) target_semaphore(%arg14 : memref<!tpu.dma_semaphore, #tpu.memory_space<semaphore_mem>>)
      } else {
      }
      %dma_wait3A_65 = arith.constant 0 : i32
      %dma_wait3A_66 = tpu.memref_slice %arg6[%dma_wait3A_65] : memref<512xi32, #tpu.memory_space<vmem>> -> memref<32xi32, #tpu.memory_space<vmem>>
      %dma_wait3A_67 = arith.constant 0 : i32
      %dma_wait3A_68 = arith.constant 0 : i32
      %dma_wait3A_69 = tpu.memref_slice %arg4[%dma_wait3A_67, %dma_wait3A_68] : memref<100000x512xf32, #tpu.memory_space<hbm>> -> memref<100000x512xf32, #tpu.memory_space<hbm>>
      tpu.wait_indirect_dma semaphore(%arg13 : memref<!tpu.dma_semaphore, #tpu.memory_space<semaphore_mem>>) src(%dma_wait3A_69 : memref<100000x512xf32, #tpu.memory_space<hbm>>) dst(%arg8 : memref<32x512xf32, #tpu.memory_space<vmem>>)
      %dma_wait3A_70 = arith.constant 0 : i32
      %dma_wait3A_71 = arith.constant 0 : i32
      %dma_wait3A_72 = tpu.memref_slice %arg2[%dma_wait3A_70, %dma_wait3A_71] : memref<16384x512xf32, #tpu.memory_space<hbm>> -> memref<32x512xf32, #tpu.memory_space<hbm>>
      %dma_wait3A_73 = arith.constant 0 : i32
      %dma_wait3A_74 = arith.constant 0 : i32
      %dma_wait3A_75 = tpu.memref_slice %arg2[%dma_wait3A_73, %dma_wait3A_74] : memref<16384x512xf32, #tpu.memory_space<hbm>> -> memref<32x512xf32, #tpu.memory_space<hbm>>
      tpu.wait_dma2 semaphore(%arg15 : memref<!tpu.dma_semaphore, #tpu.memory_space<semaphore_mem>>) src(%dma_wait3A_75 : memref<32x512xf32, #tpu.memory_space<hbm>>) dst(%arg10 : memref<32x512xf32, #tpu.memory_space<vmem>>)
      %scan3A_76 = arith.constant 0 : i32
      %scan3A_77 = arith.constant 32 : i32
      %scan3A_78 = arith.addi %scan3A_76, %scan3A_77 : i32
      %scan3A_79 = arith.constant 1 : i32
      %scan3A_80:4 = scf.for %scan3A_82 = %scan3A_76 to %scan3A_78 step %scan3A_79 iter_args(%scan3A_83 = %scan3A_52#0, %scan3A_84 = %scan3A_52#1, %scan3A_85 = %scan3A_52#2, %scan3A_86 = %scan3A_52#3) -> (vector<16xf32>, vector<16xf32>, vector<16xf32>, vector<16xf32>)  : i32 {
        %get3A = arith.index_cast %scan3A_82 : i32 to index
        %get3A_87 = arith.constant 0 : index
        %get3A_88 = tpu.vector_load %arg10[%get3A, %get3A_87] {strides = array<i32>} : memref<32x512xf32, #tpu.memory_space<vmem>>, vector<1x16xf32>,
        %get3A_89 = vector.shape_cast %get3A_88 : vector<1x16xf32> to vector<16xf32>
        %get3A_90 = arith.index_cast %scan3A_82 : i32 to index
        %get3A_91 = arith.constant 0 : index
        %get3A_92 = tpu.vector_load %arg8[%get3A_90, %get3A_91] {strides = array<i32>} : memref<32x512xf32, #tpu.memory_space<vmem>>, vector<1x16xf32>,
        %get3A_93 = vector.shape_cast %get3A_92 : vector<1x16xf32> to vector<16xf32>
        %sub3A = arith.subf %get3A_89, %get3A_93 : vector<16xf32>
        %mul3A_94 = arith.mulf %sub3A, %sub3A : vector<16xf32>
        %add3A_95 = arith.addf %scan3A_83, %mul3A_94 : vector<16xf32>
        %get3A_96 = arith.index_cast %scan3A_82 : i32 to index
        %get3A_97 = arith.constant 16 : index
        %get3A_98 = tpu.vector_load %arg10[%get3A_96, %get3A_97] {strides = array<i32>} : memref<32x512xf32, #tpu.memory_space<vmem>>, vector<1x16xf32>,
        %get3A_99 = vector.shape_cast %get3A_98 : vector<1x16xf32> to vector<16xf32>
        %get3A_100 = arith.index_cast %scan3A_82 : i32 to index
        %get3A_101 = arith.constant 16 : index
        %get3A_102 = tpu.vector_load %arg8[%get3A_100, %get3A_101] {strides = array<i32>} : memref<32x512xf32, #tpu.memory_space<vmem>>, vector<1x16xf32>,
        %get3A_103 = vector.shape_cast %get3A_102 : vector<1x16xf32> to vector<16xf32>
        %sub3A_104 = arith.subf %get3A_99, %get3A_103 : vector<16xf32>
        %mul3A_105 = arith.mulf %sub3A_104, %sub3A_104 : vector<16xf32>
        %add3A_106 = arith.addf %scan3A_84, %mul3A_105 : vector<16xf32>
        %get3A_107 = arith.index_cast %scan3A_82 : i32 to index
        %get3A_108 = arith.constant 32 : index
        %get3A_109 = tpu.vector_load %arg10[%get3A_107, %get3A_108] {strides = array<i32>} : memref<32x512xf32, #tpu.memory_space<vmem>>, vector<1x16xf32>,
        %get3A_110 = vector.shape_cast %get3A_109 : vector<1x16xf32> to vector<16xf32>
        %get3A_111 = arith.index_cast %scan3A_82 : i32 to index
        %get3A_112 = arith.constant 32 : index
        %get3A_113 = tpu.vector_load %arg8[%get3A_111, %get3A_112] {strides = array<i32>} : memref<32x512xf32, #tpu.memory_space<vmem>>, vector<1x16xf32>,
        %get3A_114 = vector.shape_cast %get3A_113 : vector<1x16xf32> to vector<16xf32>
        %sub3A_115 = arith.subf %get3A_110, %get3A_114 : vector<16xf32>
        %mul3A_116 = arith.mulf %sub3A_115, %sub3A_115 : vector<16xf32>
        %add3A_117 = arith.addf %scan3A_85, %mul3A_116 : vector<16xf32>
        %get3A_118 = arith.index_cast %scan3A_82 : i32 to index
        %get3A_119 = arith.constant 48 : index
        %get3A_120 = tpu.vector_load %arg10[%get3A_118, %get3A_119] {strides = array<i32>} : memref<32x512xf32, #tpu.memory_space<vmem>>, vector<1x16xf32>,
        %get3A_121 = vector.shape_cast %get3A_120 : vector<1x16xf32> to vector<16xf32>
        %get3A_122 = arith.index_cast %scan3A_82 : i32 to index
        %get3A_123 = arith.constant 48 : index
        %get3A_124 = tpu.vector_load %arg8[%get3A_122, %get3A_123] {strides = array<i32>} : memref<32x512xf32, #tpu.memory_space<vmem>>, vector<1x16xf32>,
        %get3A_125 = vector.shape_cast %get3A_124 : vector<1x16xf32> to vector<16xf32>
        %sub3A_126 = arith.subf %get3A_121, %get3A_125 : vector<16xf32>
        %mul3A_127 = arith.mulf %sub3A_126, %sub3A_126 : vector<16xf32>
        %add3A_128 = arith.addf %scan3A_86, %mul3A_127 : vector<16xf32>
        %get3A_129 = arith.index_cast %scan3A_82 : i32 to index
        %get3A_130 = arith.constant 64 : index
        %get3A_131 = tpu.vector_load %arg10[%get3A_129, %get3A_130] {strides = array<i32>} : memref<32x512xf32, #tpu.memory_space<vmem>>, vector<1x16xf32>,
        %get3A_132 = vector.shape_cast %get3A_131 : vector<1x16xf32> to vector<16xf32>
        %get3A_133 = arith.index_cast %scan3A_82 : i32 to index
        %get3A_134 = arith.constant 64 : index
        %get3A_135 = tpu.vector_load %arg8[%get3A_133, %get3A_134] {strides = array<i32>} : memref<32x512xf32, #tpu.memory_space<vmem>>, vector<1x16xf32>,
        %get3A_136 = vector.shape_cast %get3A_135 : vector<1x16xf32> to vector<16xf32>
        %sub3A_137 = arith.subf %get3A_132, %get3A_136 : vector<16xf32>
        %mul3A_138 = arith.mulf %sub3A_137, %sub3A_137 : vector<16xf32>
        %add3A_139 = arith.addf %add3A_95, %mul3A_138 : vector<16xf32>
        %get3A_140 = arith.index_cast %scan3A_82 : i32 to index
        %get3A_141 = arith.constant 80 : index
        %get3A_142 = tpu.vector_load %arg10[%get3A_140, %get3A_141] {strides = array<i32>} : memref<32x512xf32, #tpu.memory_space<vmem>>, vector<1x16xf32>,
        %get3A_143 = vector.shape_cast %get3A_142 : vector<1x16xf32> to vector<16xf32>
        %get3A_144 = arith.index_cast %scan3A_82 : i32 to index
        %get3A_145 = arith.constant 80 : index
        %get3A_146 = tpu.vector_load %arg8[%get3A_144, %get3A_145] {strides = array<i32>} : memref<32x512xf32, #tpu.memory_space<vmem>>, vector<1x16xf32>,
        %get3A_147 = vector.shape_cast %get3A_146 : vector<1x16xf32> to vector<16xf32>
        %sub3A_148 = arith.subf %get3A_143, %get3A_147 : vector<16xf32>
        %mul3A_149 = arith.mulf %sub3A_148, %sub3A_148 : vector<16xf32>
        %add3A_150 = arith.addf %add3A_106, %mul3A_149 : vector<16xf32>
        %get3A_151 = arith.index_cast %scan3A_82 : i32 to index
        %get3A_152 = arith.constant 96 : index
        %get3A_153 = tpu.vector_load %arg10[%get3A_151, %get3A_152] {strides = array<i32>} : memref<32x512xf32, #tpu.memory_space<vmem>>, vector<1x16xf32>,
        %get3A_154 = vector.shape_cast %get3A_153 : vector<1x16xf32> to vector<16xf32>
        %get3A_155 = arith.index_cast %scan3A_82 : i32 to index
        %get3A_156 = arith.constant 96 : index
        %get3A_157 = tpu.vector_load %arg8[%get3A_155, %get3A_156] {strides = array<i32>} : memref<32x512xf32, #tpu.memory_space<vmem>>, vector<1x16xf32>,
        %get3A_158 = vector.shape_cast %get3A_157 : vector<1x16xf32> to vector<16xf32>
        %sub3A_159 = arith.subf %get3A_154, %get3A_158 : vector<16xf32>
        %mul3A_160 = arith.mulf %sub3A_159, %sub3A_159 : vector<16xf32>
        %add3A_161 = arith.addf %add3A_117, %mul3A_160 : vector<16xf32>
        %get3A_162 = arith.index_cast %scan3A_82 : i32 to index
        %get3A_163 = arith.constant 112 : index
        %get3A_164 = tpu.vector_load %arg10[%get3A_162, %get3A_163] {strides = array<i32>} : memref<32x512xf32, #tpu.memory_space<vmem>>, vector<1x16xf32>,
        %get3A_165 = vector.shape_cast %get3A_164 : vector<1x16xf32> to vector<16xf32>
        %get3A_166 = arith.index_cast %scan3A_82 : i32 to index
        %get3A_167 = arith.constant 112 : index
        %get3A_168 = tpu.vector_load %arg8[%get3A_166, %get3A_167] {strides = array<i32>} : memref<32x512xf32, #tpu.memory_space<vmem>>, vector<1x16xf32>,
        %get3A_169 = vector.shape_cast %get3A_168 : vector<1x16xf32> to vector<16xf32>
        %sub3A_170 = arith.subf %get3A_165, %get3A_169 : vector<16xf32>
        %mul3A_171 = arith.mulf %sub3A_170, %sub3A_170 : vector<16xf32>
        %add3A_172 = arith.addf %add3A_128, %mul3A_171 : vector<16xf32>
        %get3A_173 = arith.index_cast %scan3A_82 : i32 to index
        %get3A_174 = arith.constant 128 : index
        %get3A_175 = tpu.vector_load %arg10[%get3A_173, %get3A_174] {strides = array<i32>} : memref<32x512xf32, #tpu.memory_space<vmem>>, vector<1x16xf32>,
        %get3A_176 = vector.shape_cast %get3A_175 : vector<1x16xf32> to vector<16xf32>
        %get3A_177 = arith.index_cast %scan3A_82 : i32 to index
        %get3A_178 = arith.constant 128 : index
        %get3A_179 = tpu.vector_load %arg8[%get3A_177, %get3A_178] {strides = array<i32>} : memref<32x512xf32, #tpu.memory_space<vmem>>, vector<1x16xf32>,
        %get3A_180 = vector.shape_cast %get3A_179 : vector<1x16xf32> to vector<16xf32>
        %sub3A_181 = arith.subf %get3A_176, %get3A_180 : vector<16xf32>
        %mul3A_182 = arith.mulf %sub3A_181, %sub3A_181 : vector<16xf32>
        %add3A_183 = arith.addf %add3A_139, %mul3A_182 : vector<16xf32>
        %get3A_184 = arith.index_cast %scan3A_82 : i32 to index
        %get3A_185 = arith.constant 144 : index
        %get3A_186 = tpu.vector_load %arg10[%get3A_184, %get3A_185] {strides = array<i32>} : memref<32x512xf32, #tpu.memory_space<vmem>>, vector<1x16xf32>,
        %get3A_187 = vector.shape_cast %get3A_186 : vector<1x16xf32> to vector<16xf32>
        %get3A_188 = arith.index_cast %scan3A_82 : i32 to index
        %get3A_189 = arith.constant 144 : index
        %get3A_190 = tpu.vector_load %arg8[%get3A_188, %get3A_189] {strides = array<i32>} : memref<32x512xf32, #tpu.memory_space<vmem>>, vector<1x16xf32>,
        %get3A_191 = vector.shape_cast %get3A_190 : vector<1x16xf32> to vector<16xf32>
        %sub3A_192 = arith.subf %get3A_187, %get3A_191 : vector<16xf32>
        %mul3A_193 = arith.mulf %sub3A_192, %sub3A_192 : vector<16xf32>
        %add3A_194 = arith.addf %add3A_150, %mul3A_193 : vector<16xf32>
        %get3A_195 = arith.index_cast %scan3A_82 : i32 to index
        %get3A_196 = arith.constant 160 : index
        %get3A_197 = tpu.vector_load %arg10[%get3A_195, %get3A_196] {strides = array<i32>} : memref<32x512xf32, #tpu.memory_space<vmem>>, vector<1x16xf32>,
        %get3A_198 = vector.shape_cast %get3A_197 : vector<1x16xf32> to vector<16xf32>
        %get3A_199 = arith.index_cast %scan3A_82 : i32 to index
        %get3A_200 = arith.constant 160 : index
        %get3A_201 = tpu.vector_load %arg8[%get3A_199, %get3A_200] {strides = array<i32>} : memref<32x512xf32, #tpu.memory_space<vmem>>, vector<1x16xf32>,
        %get3A_202 = vector.shape_cast %get3A_201 : vector<1x16xf32> to vector<16xf32>
        %sub3A_203 = arith.subf %get3A_198, %get3A_202 : vector<16xf32>
        %mul3A_204 = arith.mulf %sub3A_203, %sub3A_203 : vector<16xf32>
        %add3A_205 = arith.addf %add3A_161, %mul3A_204 : vector<16xf32>
        %get3A_206 = arith.index_cast %scan3A_82 : i32 to index
        %get3A_207 = arith.constant 176 : index
        %get3A_208 = tpu.vector_load %arg10[%get3A_206, %get3A_207] {strides = array<i32>} : memref<32x512xf32, #tpu.memory_space<vmem>>, vector<1x16xf32>,
        %get3A_209 = vector.shape_cast %get3A_208 : vector<1x16xf32> to vector<16xf32>
        %get3A_210 = arith.index_cast %scan3A_82 : i32 to index
        %get3A_211 = arith.constant 176 : index
        %get3A_212 = tpu.vector_load %arg8[%get3A_210, %get3A_211] {strides = array<i32>} : memref<32x512xf32, #tpu.memory_space<vmem>>, vector<1x16xf32>,
        %get3A_213 = vector.shape_cast %get3A_212 : vector<1x16xf32> to vector<16xf32>
        %sub3A_214 = arith.subf %get3A_209, %get3A_213 : vector<16xf32>
        %mul3A_215 = arith.mulf %sub3A_214, %sub3A_214 : vector<16xf32>
        %add3A_216 = arith.addf %add3A_172, %mul3A_215 : vector<16xf32>
        %get3A_217 = arith.index_cast %scan3A_82 : i32 to index
        %get3A_218 = arith.constant 192 : index
        %get3A_219 = tpu.vector_load %arg10[%get3A_217, %get3A_218] {strides = array<i32>} : memref<32x512xf32, #tpu.memory_space<vmem>>, vector<1x16xf32>,
        %get3A_220 = vector.shape_cast %get3A_219 : vector<1x16xf32> to vector<16xf32>
        %get3A_221 = arith.index_cast %scan3A_82 : i32 to index
        %get3A_222 = arith.constant 192 : index
        %get3A_223 = tpu.vector_load %arg8[%get3A_221, %get3A_222] {strides = array<i32>} : memref<32x512xf32, #tpu.memory_space<vmem>>, vector<1x16xf32>,
        %get3A_224 = vector.shape_cast %get3A_223 : vector<1x16xf32> to vector<16xf32>
        %sub3A_225 = arith.subf %get3A_220, %get3A_224 : vector<16xf32>
        %mul3A_226 = arith.mulf %sub3A_225, %sub3A_225 : vector<16xf32>
        %add3A_227 = arith.addf %add3A_183, %mul3A_226 : vector<16xf32>
        %get3A_228 = arith.index_cast %scan3A_82 : i32 to index
        %get3A_229 = arith.constant 208 : index
        %get3A_230 = tpu.vector_load %arg10[%get3A_228, %get3A_229] {strides = array<i32>} : memref<32x512xf32, #tpu.memory_space<vmem>>, vector<1x16xf32>,
        %get3A_231 = vector.shape_cast %get3A_230 : vector<1x16xf32> to vector<16xf32>
        %get3A_232 = arith.index_cast %scan3A_82 : i32 to index
        %get3A_233 = arith.constant 208 : index
        %get3A_234 = tpu.vector_load %arg8[%get3A_232, %get3A_233] {strides = array<i32>} : memref<32x512xf32, #tpu.memory_space<vmem>>, vector<1x16xf32>,
        %get3A_235 = vector.shape_cast %get3A_234 : vector<1x16xf32> to vector<16xf32>
        %sub3A_236 = arith.subf %get3A_231, %get3A_235 : vector<16xf32>
        %mul3A_237 = arith.mulf %sub3A_236, %sub3A_236 : vector<16xf32>
        %add3A_238 = arith.addf %add3A_194, %mul3A_237 : vector<16xf32>
        %get3A_239 = arith.index_cast %scan3A_82 : i32 to index
        %get3A_240 = arith.constant 224 : index
        %get3A_241 = tpu.vector_load %arg10[%get3A_239, %get3A_240] {strides = array<i32>} : memref<32x512xf32, #tpu.memory_space<vmem>>, vector<1x16xf32>,
        %get3A_242 = vector.shape_cast %get3A_241 : vector<1x16xf32> to vector<16xf32>
        %get3A_243 = arith.index_cast %scan3A_82 : i32 to index
        %get3A_244 = arith.constant 224 : index
        %get3A_245 = tpu.vector_load %arg8[%get3A_243, %get3A_244] {strides = array<i32>} : memref<32x512xf32, #tpu.memory_space<vmem>>, vector<1x16xf32>,
        %get3A_246 = vector.shape_cast %get3A_245 : vector<1x16xf32> to vector<16xf32>
        %sub3A_247 = arith.subf %get3A_242, %get3A_246 : vector<16xf32>
        %mul3A_248 = arith.mulf %sub3A_247, %sub3A_247 : vector<16xf32>
        %add3A_249 = arith.addf %add3A_205, %mul3A_248 : vector<16xf32>
        %get3A_250 = arith.index_cast %scan3A_82 : i32 to index
        %get3A_251 = arith.constant 240 : index
        %get3A_252 = tpu.vector_load %arg10[%get3A_250, %get3A_251] {strides = array<i32>} : memref<32x512xf32, #tpu.memory_space<vmem>>, vector<1x16xf32>,
        %get3A_253 = vector.shape_cast %get3A_252 : vector<1x16xf32> to vector<16xf32>
        %get3A_254 = arith.index_cast %scan3A_82 : i32 to index
        %get3A_255 = arith.constant 240 : index
        %get3A_256 = tpu.vector_load %arg8[%get3A_254, %get3A_255] {strides = array<i32>} : memref<32x512xf32, #tpu.memory_space<vmem>>, vector<1x16xf32>,
        %get3A_257 = vector.shape_cast %get3A_256 : vector<1x16xf32> to vector<16xf32>
        %sub3A_258 = arith.subf %get3A_253, %get3A_257 : vector<16xf32>
        %mul3A_259 = arith.mulf %sub3A_258, %sub3A_258 : vector<16xf32>
        %add3A_260 = arith.addf %add3A_216, %mul3A_259 : vector<16xf32>
        %get3A_261 = arith.index_cast %scan3A_82 : i32 to index
        %get3A_262 = arith.constant 256 : index
        %get3A_263 = tpu.vector_load %arg10[%get3A_261, %get3A_262] {strides = array<i32>} : memref<32x512xf32, #tpu.memory_space<vmem>>, vector<1x16xf32>,
        %get3A_264 = vector.shape_cast %get3A_263 : vector<1x16xf32> to vector<16xf32>
        %get3A_265 = arith.index_cast %scan3A_82 : i32 to index
        %get3A_266 = arith.constant 256 : index
        %get3A_267 = tpu.vector_load %arg8[%get3A_265, %get3A_266] {strides = array<i32>} : memref<32x512xf32, #tpu.memory_space<vmem>>, vector<1x16xf32>,
        %get3A_268 = vector.shape_cast %get3A_267 : vector<1x16xf32> to vector<16xf32>
        %sub3A_269 = arith.subf %get3A_264, %get3A_268 : vector<16xf32>
        %mul3A_270 = arith.mulf %sub3A_269, %sub3A_269 : vector<16xf32>
        %add3A_271 = arith.addf %add3A_227, %mul3A_270 : vector<16xf32>
        %get3A_272 = arith.index_cast %scan3A_82 : i32 to index
        %get3A_273 = arith.constant 272 : index
        %get3A_274 = tpu.vector_load %arg10[%get3A_272, %get3A_273] {strides = array<i32>} : memref<32x512xf32, #tpu.memory_space<vmem>>, vector<1x16xf32>,
        %get3A_275 = vector.shape_cast %get3A_274 : vector<1x16xf32> to vector<16xf32>
        %get3A_276 = arith.index_cast %scan3A_82 : i32 to index
        %get3A_277 = arith.constant 272 : index
        %get3A_278 = tpu.vector_load %arg8[%get3A_276, %get3A_277] {strides = array<i32>} : memref<32x512xf32, #tpu.memory_space<vmem>>, vector<1x16xf32>,
        %get3A_279 = vector.shape_cast %get3A_278 : vector<1x16xf32> to vector<16xf32>
        %sub3A_280 = arith.subf %get3A_275, %get3A_279 : vector<16xf32>
        %mul3A_281 = arith.mulf %sub3A_280, %sub3A_280 : vector<16xf32>
        %add3A_282 = arith.addf %add3A_238, %mul3A_281 : vector<16xf32>
        %get3A_283 = arith.index_cast %scan3A_82 : i32 to index
        %get3A_284 = arith.constant 288 : index
        %get3A_285 = tpu.vector_load %arg10[%get3A_283, %get3A_284] {strides = array<i32>} : memref<32x512xf32, #tpu.memory_space<vmem>>, vector<1x16xf32>,
        %get3A_286 = vector.shape_cast %get3A_285 : vector<1x16xf32> to vector<16xf32>
        %get3A_287 = arith.index_cast %scan3A_82 : i32 to index
        %get3A_288 = arith.constant 288 : index
        %get3A_289 = tpu.vector_load %arg8[%get3A_287, %get3A_288] {strides = array<i32>} : memref<32x512xf32, #tpu.memory_space<vmem>>, vector<1x16xf32>,
        %get3A_290 = vector.shape_cast %get3A_289 : vector<1x16xf32> to vector<16xf32>
        %sub3A_291 = arith.subf %get3A_286, %get3A_290 : vector<16xf32>
        %mul3A_292 = arith.mulf %sub3A_291, %sub3A_291 : vector<16xf32>
        %add3A_293 = arith.addf %add3A_249, %mul3A_292 : vector<16xf32>
        %get3A_294 = arith.index_cast %scan3A_82 : i32 to index
        %get3A_295 = arith.constant 304 : index
        %get3A_296 = tpu.vector_load %arg10[%get3A_294, %get3A_295] {strides = array<i32>} : memref<32x512xf32, #tpu.memory_space<vmem>>, vector<1x16xf32>,
        %get3A_297 = vector.shape_cast %get3A_296 : vector<1x16xf32> to vector<16xf32>
        %get3A_298 = arith.index_cast %scan3A_82 : i32 to index
        %get3A_299 = arith.constant 304 : index
        %get3A_300 = tpu.vector_load %arg8[%get3A_298, %get3A_299] {strides = array<i32>} : memref<32x512xf32, #tpu.memory_space<vmem>>, vector<1x16xf32>,
        %get3A_301 = vector.shape_cast %get3A_300 : vector<1x16xf32> to vector<16xf32>
        %sub3A_302 = arith.subf %get3A_297, %get3A_301 : vector<16xf32>
        %mul3A_303 = arith.mulf %sub3A_302, %sub3A_302 : vector<16xf32>
        %add3A_304 = arith.addf %add3A_260, %mul3A_303 : vector<16xf32>
        %get3A_305 = arith.index_cast %scan3A_82 : i32 to index
        %get3A_306 = arith.constant 320 : index
        %get3A_307 = tpu.vector_load %arg10[%get3A_305, %get3A_306] {strides = array<i32>} : memref<32x512xf32, #tpu.memory_space<vmem>>, vector<1x16xf32>,
        %get3A_308 = vector.shape_cast %get3A_307 : vector<1x16xf32> to vector<16xf32>
        %get3A_309 = arith.index_cast %scan3A_82 : i32 to index
        %get3A_310 = arith.constant 320 : index
        %get3A_311 = tpu.vector_load %arg8[%get3A_309, %get3A_310] {strides = array<i32>} : memref<32x512xf32, #tpu.memory_space<vmem>>, vector<1x16xf32>,
        %get3A_312 = vector.shape_cast %get3A_311 : vector<1x16xf32> to vector<16xf32>
        %sub3A_313 = arith.subf %get3A_308, %get3A_312 : vector<16xf32>
        %mul3A_314 = arith.mulf %sub3A_313, %sub3A_313 : vector<16xf32>
        %add3A_315 = arith.addf %add3A_271, %mul3A_314 : vector<16xf32>
        %get3A_316 = arith.index_cast %scan3A_82 : i32 to index
        %get3A_317 = arith.constant 336 : index
        %get3A_318 = tpu.vector_load %arg10[%get3A_316, %get3A_317] {strides = array<i32>} : memref<32x512xf32, #tpu.memory_space<vmem>>, vector<1x16xf32>,
        %get3A_319 = vector.shape_cast %get3A_318 : vector<1x16xf32> to vector<16xf32>
        %get3A_320 = arith.index_cast %scan3A_82 : i32 to index
        %get3A_321 = arith.constant 336 : index
        %get3A_322 = tpu.vector_load %arg8[%get3A_320, %get3A_321] {strides = array<i32>} : memref<32x512xf32, #tpu.memory_space<vmem>>, vector<1x16xf32>,
        %get3A_323 = vector.shape_cast %get3A_322 : vector<1x16xf32> to vector<16xf32>
        %sub3A_324 = arith.subf %get3A_319, %get3A_323 : vector<16xf32>
        %mul3A_325 = arith.mulf %sub3A_324, %sub3A_324 : vector<16xf32>
        %add3A_326 = arith.addf %add3A_282, %mul3A_325 : vector<16xf32>
        %get3A_327 = arith.index_cast %scan3A_82 : i32 to index
        %get3A_328 = arith.constant 352 : index
        %get3A_329 = tpu.vector_load %arg10[%get3A_327, %get3A_328] {strides = array<i32>} : memref<32x512xf32, #tpu.memory_space<vmem>>, vector<1x16xf32>,
        %get3A_330 = vector.shape_cast %get3A_329 : vector<1x16xf32> to vector<16xf32>
        %get3A_331 = arith.index_cast %scan3A_82 : i32 to index
        %get3A_332 = arith.constant 352 : index
        %get3A_333 = tpu.vector_load %arg8[%get3A_331, %get3A_332] {strides = array<i32>} : memref<32x512xf32, #tpu.memory_space<vmem>>, vector<1x16xf32>,
        %get3A_334 = vector.shape_cast %get3A_333 : vector<1x16xf32> to vector<16xf32>
        %sub3A_335 = arith.subf %get3A_330, %get3A_334 : vector<16xf32>
        %mul3A_336 = arith.mulf %sub3A_335, %sub3A_335 : vector<16xf32>
        %add3A_337 = arith.addf %add3A_293, %mul3A_336 : vector<16xf32>
        %get3A_338 = arith.index_cast %scan3A_82 : i32 to index
        %get3A_339 = arith.constant 368 : index
        %get3A_340 = tpu.vector_load %arg10[%get3A_338, %get3A_339] {strides = array<i32>} : memref<32x512xf32, #tpu.memory_space<vmem>>, vector<1x16xf32>,
        %get3A_341 = vector.shape_cast %get3A_340 : vector<1x16xf32> to vector<16xf32>
        %get3A_342 = arith.index_cast %scan3A_82 : i32 to index
        %get3A_343 = arith.constant 368 : index
        %get3A_344 = tpu.vector_load %arg8[%get3A_342, %get3A_343] {strides = array<i32>} : memref<32x512xf32, #tpu.memory_space<vmem>>, vector<1x16xf32>,
        %get3A_345 = vector.shape_cast %get3A_344 : vector<1x16xf32> to vector<16xf32>
        %sub3A_346 = arith.subf %get3A_341, %get3A_345 : vector<16xf32>
        %mul3A_347 = arith.mulf %sub3A_346, %sub3A_346 : vector<16xf32>
        %add3A_348 = arith.addf %add3A_304, %mul3A_347 : vector<16xf32>
        %get3A_349 = arith.index_cast %scan3A_82 : i32 to index
        %get3A_350 = arith.constant 384 : index
        %get3A_351 = tpu.vector_load %arg10[%get3A_349, %get3A_350] {strides = array<i32>} : memref<32x512xf32, #tpu.memory_space<vmem>>, vector<1x16xf32>,
        %get3A_352 = vector.shape_cast %get3A_351 : vector<1x16xf32> to vector<16xf32>
        %get3A_353 = arith.index_cast %scan3A_82 : i32 to index
        %get3A_354 = arith.constant 384 : index
        %get3A_355 = tpu.vector_load %arg8[%get3A_353, %get3A_354] {strides = array<i32>} : memref<32x512xf32, #tpu.memory_space<vmem>>, vector<1x16xf32>,
        %get3A_356 = vector.shape_cast %get3A_355 : vector<1x16xf32> to vector<16xf32>
        %sub3A_357 = arith.subf %get3A_352, %get3A_356 : vector<16xf32>
        %mul3A_358 = arith.mulf %sub3A_357, %sub3A_357 : vector<16xf32>
        %add3A_359 = arith.addf %add3A_315, %mul3A_358 : vector<16xf32>
        %get3A_360 = arith.index_cast %scan3A_82 : i32 to index
        %get3A_361 = arith.constant 400 : index
        %get3A_362 = tpu.vector_load %arg10[%get3A_360, %get3A_361] {strides = array<i32>} : memref<32x512xf32, #tpu.memory_space<vmem>>, vector<1x16xf32>,
        %get3A_363 = vector.shape_cast %get3A_362 : vector<1x16xf32> to vector<16xf32>
        %get3A_364 = arith.index_cast %scan3A_82 : i32 to index
        %get3A_365 = arith.constant 400 : index
        %get3A_366 = tpu.vector_load %arg8[%get3A_364, %get3A_365] {strides = array<i32>} : memref<32x512xf32, #tpu.memory_space<vmem>>, vector<1x16xf32>,
        %get3A_367 = vector.shape_cast %get3A_366 : vector<1x16xf32> to vector<16xf32>
        %sub3A_368 = arith.subf %get3A_363, %get3A_367 : vector<16xf32>
        %mul3A_369 = arith.mulf %sub3A_368, %sub3A_368 : vector<16xf32>
        %add3A_370 = arith.addf %add3A_326, %mul3A_369 : vector<16xf32>
        %get3A_371 = arith.index_cast %scan3A_82 : i32 to index
        %get3A_372 = arith.constant 416 : index
        %get3A_373 = tpu.vector_load %arg10[%get3A_371, %get3A_372] {strides = array<i32>} : memref<32x512xf32, #tpu.memory_space<vmem>>, vector<1x16xf32>,
        %get3A_374 = vector.shape_cast %get3A_373 : vector<1x16xf32> to vector<16xf32>
        %get3A_375 = arith.index_cast %scan3A_82 : i32 to index
        %get3A_376 = arith.constant 416 : index
        %get3A_377 = tpu.vector_load %arg8[%get3A_375, %get3A_376] {strides = array<i32>} : memref<32x512xf32, #tpu.memory_space<vmem>>, vector<1x16xf32>,
        %get3A_378 = vector.shape_cast %get3A_377 : vector<1x16xf32> to vector<16xf32>
        %sub3A_379 = arith.subf %get3A_374, %get3A_378 : vector<16xf32>
        %mul3A_380 = arith.mulf %sub3A_379, %sub3A_379 : vector<16xf32>
        %add3A_381 = arith.addf %add3A_337, %mul3A_380 : vector<16xf32>
        %get3A_382 = arith.index_cast %scan3A_82 : i32 to index
        %get3A_383 = arith.constant 432 : index
        %get3A_384 = tpu.vector_load %arg10[%get3A_382, %get3A_383] {strides = array<i32>} : memref<32x512xf32, #tpu.memory_space<vmem>>, vector<1x16xf32>,
        %get3A_385 = vector.shape_cast %get3A_384 : vector<1x16xf32> to vector<16xf32>
        %get3A_386 = arith.index_cast %scan3A_82 : i32 to index
        %get3A_387 = arith.constant 432 : index
        %get3A_388 = tpu.vector_load %arg8[%get3A_386, %get3A_387] {strides = array<i32>} : memref<32x512xf32, #tpu.memory_space<vmem>>, vector<1x16xf32>,
        %get3A_389 = vector.shape_cast %get3A_388 : vector<1x16xf32> to vector<16xf32>
        %sub3A_390 = arith.subf %get3A_385, %get3A_389 : vector<16xf32>
        %mul3A_391 = arith.mulf %sub3A_390, %sub3A_390 : vector<16xf32>
        %add3A_392 = arith.addf %add3A_348, %mul3A_391 : vector<16xf32>
        %get3A_393 = arith.index_cast %scan3A_82 : i32 to index
        %get3A_394 = arith.constant 448 : index
        %get3A_395 = tpu.vector_load %arg10[%get3A_393, %get3A_394] {strides = array<i32>} : memref<32x512xf32, #tpu.memory_space<vmem>>, vector<1x16xf32>,
        %get3A_396 = vector.shape_cast %get3A_395 : vector<1x16xf32> to vector<16xf32>
        %get3A_397 = arith.index_cast %scan3A_82 : i32 to index
        %get3A_398 = arith.constant 448 : index
        %get3A_399 = tpu.vector_load %arg8[%get3A_397, %get3A_398] {strides = array<i32>} : memref<32x512xf32, #tpu.memory_space<vmem>>, vector<1x16xf32>,
        %get3A_400 = vector.shape_cast %get3A_399 : vector<1x16xf32> to vector<16xf32>
        %sub3A_401 = arith.subf %get3A_396, %get3A_400 : vector<16xf32>
        %mul3A_402 = arith.mulf %sub3A_401, %sub3A_401 : vector<16xf32>
        %add3A_403 = arith.addf %add3A_359, %mul3A_402 : vector<16xf32>
        %get3A_404 = arith.index_cast %scan3A_82 : i32 to index
        %get3A_405 = arith.constant 464 : index
        %get3A_406 = tpu.vector_load %arg10[%get3A_404, %get3A_405] {strides = array<i32>} : memref<32x512xf32, #tpu.memory_space<vmem>>, vector<1x16xf32>,
        %get3A_407 = vector.shape_cast %get3A_406 : vector<1x16xf32> to vector<16xf32>
        %get3A_408 = arith.index_cast %scan3A_82 : i32 to index
        %get3A_409 = arith.constant 464 : index
        %get3A_410 = tpu.vector_load %arg8[%get3A_408, %get3A_409] {strides = array<i32>} : memref<32x512xf32, #tpu.memory_space<vmem>>, vector<1x16xf32>,
        %get3A_411 = vector.shape_cast %get3A_410 : vector<1x16xf32> to vector<16xf32>
        %sub3A_412 = arith.subf %get3A_407, %get3A_411 : vector<16xf32>
        %mul3A_413 = arith.mulf %sub3A_412, %sub3A_412 : vector<16xf32>
        %add3A_414 = arith.addf %add3A_370, %mul3A_413 : vector<16xf32>
        %get3A_415 = arith.index_cast %scan3A_82 : i32 to index
        %get3A_416 = arith.constant 480 : index
        %get3A_417 = tpu.vector_load %arg10[%get3A_415, %get3A_416] {strides = array<i32>} : memref<32x512xf32, #tpu.memory_space<vmem>>, vector<1x16xf32>,
        %get3A_418 = vector.shape_cast %get3A_417 : vector<1x16xf32> to vector<16xf32>
        %get3A_419 = arith.index_cast %scan3A_82 : i32 to index
        %get3A_420 = arith.constant 480 : index
        %get3A_421 = tpu.vector_load %arg8[%get3A_419, %get3A_420] {strides = array<i32>} : memref<32x512xf32, #tpu.memory_space<vmem>>, vector<1x16xf32>,
        %get3A_422 = vector.shape_cast %get3A_421 : vector<1x16xf32> to vector<16xf32>
        %sub3A_423 = arith.subf %get3A_418, %get3A_422 : vector<16xf32>
        %mul3A_424 = arith.mulf %sub3A_423, %sub3A_423 : vector<16xf32>
        %add3A_425 = arith.addf %add3A_381, %mul3A_424 : vector<16xf32>
        %get3A_426 = arith.index_cast %scan3A_82 : i32 to index
        %get3A_427 = arith.constant 496 : index
        %get3A_428 = tpu.vector_load %arg10[%get3A_426, %get3A_427] {strides = array<i32>} : memref<32x512xf32, #tpu.memory_space<vmem>>, vector<1x16xf32>,
        %get3A_429 = vector.shape_cast %get3A_428 : vector<1x16xf32> to vector<16xf32>
        %get3A_430 = arith.index_cast %scan3A_82 : i32 to index
        %get3A_431 = arith.constant 496 : index
        %get3A_432 = tpu.vector_load %arg8[%get3A_430, %get3A_431] {strides = array<i32>} : memref<32x512xf32, #tpu.memory_space<vmem>>, vector<1x16xf32>,
        %get3A_433 = vector.shape_cast %get3A_432 : vector<1x16xf32> to vector<16xf32>
        %sub3A_434 = arith.subf %get3A_429, %get3A_433 : vector<16xf32>
        %mul3A_435 = arith.mulf %sub3A_434, %sub3A_434 : vector<16xf32>
        %add3A_436 = arith.addf %add3A_392, %mul3A_435 : vector<16xf32>
        scf.yield %add3A_403, %add3A_414, %add3A_425, %add3A_436 : vector<16xf32>, vector<16xf32>, vector<16xf32>, vector<16xf32>
      }
      %scan3A_81 = arith.constant 32 : i32
      scf.yield %scan3A_80#0, %scan3A_80#1, %scan3A_80#2, %scan3A_80#3 : vector<16xf32>, vector<16xf32>, vector<16xf32>, vector<16xf32>
    }
    %scan3A_18 = arith.constant 8 : i32
    %add3A_19 = arith.addf %scan3A_17#0, %scan3A_17#1 : vector<16xf32>
    %add3A_20 = arith.addf %scan3A_17#2, %scan3A_17#3 : vector<16xf32>
    %add3A_21 = arith.addf %add3A_19, %add3A_20 : vector<16xf32>
    %swap3A = arith.constant 0 : index
    %swap3A_22 = tpu.vector_load %arg11[%swap3A] {strides = array<i32>} : memref<16xf32, #tpu.memory_space<vmem>>, vector<16xf32>,
    %swap3A_23 = vector.shape_cast %swap3A_22 : vector<16xf32> to vector<16xf32>
    %swap3A_24 = vector.shape_cast %add3A_21 : vector<16xf32> to vector<16xf32>
    tpu.vector_store %arg11[%swap3A], %swap3A_24 {strides = array<i32>} : memref<16xf32, #tpu.memory_space<vmem>>, vector<16xf32>,
    "tpu.region"() ({
      %run_scoped3A = tpu.sem_alloc : memref<!tpu.dma_semaphore, #tpu.memory_space<semaphore_mem>>
      %dma_start3A_25 = arith.constant 0 : i32
      %dma_start3A_26 = tpu.memref_slice %arg5[%add3A, %dma_start3A_25] : memref<32x16xf32, #tpu.memory_space<hbm>> -> memref<1x16xf32, #tpu.memory_space<hbm>>
      %dma_start3A_27 = tpu.memref_squeeze %dma_start3A_26 : memref<1x16xf32, #tpu.memory_space<hbm>> -> memref<16xf32, #tpu.memory_space<hbm>>
      %dma_start3A_28 = arith.constant 0 : i32
      %dma_start3A_29 = tpu.memref_slice %arg5[%add3A, %dma_start3A_28] : memref<32x16xf32, #tpu.memory_space<hbm>> -> memref<1x16xf32, #tpu.memory_space<hbm>>
      %dma_start3A_30 = tpu.memref_squeeze %dma_start3A_29 : memref<1x16xf32, #tpu.memory_space<hbm>> -> memref<16xf32, #tpu.memory_space<hbm>>
      tpu.enqueue_dma source(%arg11 : memref<16xf32, #tpu.memory_space<vmem>>) target(%dma_start3A_30 : memref<16xf32, #tpu.memory_space<hbm>>) target_semaphore(%run_scoped3A : memref<!tpu.dma_semaphore, #tpu.memory_space<semaphore_mem>>)
      %dma_wait3A = arith.constant 0 : i32
      %dma_wait3A_31 = tpu.memref_slice %arg5[%add3A, %dma_wait3A] : memref<32x16xf32, #tpu.memory_space<hbm>> -> memref<1x16xf32, #tpu.memory_space<hbm>>
      %dma_wait3A_32 = tpu.memref_squeeze %dma_wait3A_31 : memref<1x16xf32, #tpu.memory_space<hbm>> -> memref<16xf32, #tpu.memory_space<hbm>>
      %dma_wait3A_33 = arith.constant 0 : i32
      %dma_wait3A_34 = tpu.memref_slice %arg5[%add3A, %dma_wait3A_33] : memref<32x16xf32, #tpu.memory_space<hbm>> -> memref<1x16xf32, #tpu.memory_space<hbm>>
      %dma_wait3A_35 = tpu.memref_squeeze %dma_wait3A_34 : memref<1x16xf32, #tpu.memory_space<hbm>> -> memref<16xf32, #tpu.memory_space<hbm>>
      tpu.wait_dma2 semaphore(%run_scoped3A : memref<!tpu.dma_semaphore, #tpu.memory_space<semaphore_mem>>) src(%arg11 : memref<16xf32, #tpu.memory_space<vmem>>) dst(%dma_wait3A_35 : memref<16xf32, #tpu.memory_space<hbm>>)
      tpu.yield
    }) : () -> ()
    return
  }
}

</mosaic_0001>

<sc_bundles>
// kernel: kernel.3.cloned.1.call-start
scs
__scs_entry_jumppad:
0x0: {  	(pc) =	sbr.rel $0x88, $3  }
0x1: {  	(tag) =	ssettag $0x0;
	lr =	simm.s32 $0x1  }
0x2: {  	[smem:$0x3F9E] =	sst lr;
	_ =	strace $0xD0000000  }
0x3: {  	_ = 	snop  }
0x4: {  	_ = 	snop  }
0x5: {  	_ = 	snop  }
0x6: {  	_ = 	snop  }
0x7: {  	_ = 	snop  }
__scs_overlays_trampoline_lowered:
0x8: {  	[smem:$0x3FAD] =	sst s0  }
0x9: {  	[smem:$0x3FAE] =	sst s1  }
0xa: {  	[smem:$0x3FAF] =	sst s2  }
0xb: {  	[smem:$0x3FB0] =	sst s3  }
0xc: {  	[smem:$0x3FB1] =	sst s4  }
0xd: {  	[smem:$0x3FB2] =	sst s5  }
0xe: {  	[smem:$0x3FB3] =	sst s6  }
0xf: {  	[smem:$0x3FB4] =	sst s7  }
0x10: {  	[smem:$0x3FB5] =	sst s8  }
0x11: {  	[smem:$0x3FB6] =	sst s9;
	s0 =	simm.s32 @!p0 $0x0  }
0x12: {  	s1 =	sld [smem:$0x3F9C];
	s0 =	simm.s32 @p0 $0x1  }
0x13: {  	[smem:$0x3FB7] =	sst s0;
	s0 =	simm.s32 @!p1 $0x0  }
0x14: {  	s2 =	sld [smem:$0x3F9B];
	s0 =	simm.s32 @p1 $0x1  }
0x15: {  	[smem:$0x3FB8] =	sst s0;
	s0 =	simm.s32 @!p2 $0x0  }
0x16: {  	s3 =	sld [smem:$0x3FDB];
	s0 =	simm.s32 @p2 $0x1  }
0x17: {  	s4 =	simm.s32 $0x1BF5;
	[smem:$0x3FBA] =	sst s0  }
0x18: {  	s0 =	sld [smem:$0x3F9D];
	_ =	swait.ge [sflag:s4], $0x0  }
0x19: {  	s7 =	sld [smem:$0x3F9E]  }
0x1a: {  	s8 =	sadd.s32 $0xFFFFE003, lr  }
0x1b: {  	s9 =	sadd.s32 $0xFFFFFEF7, lr;
	s5 =	simm.s32 $0xFFFFFFFF;
	p2 =	slt.u32 s8, $0xFFFFF086  }
0x1c: {  	p1 =	slt.u32 s9, $0xF7A;
	s5 =	simm.s32 @!p2 $0x0  }
0x1d: {  	s5 =	simm.s32 @p1 $0x1;
	p0 =	seq.s32 s7, s2  }
0x1e: {  	s7 =	smul.u32 @!p0 $0xF7A, s2;
	p2 =	seq.s32 @!p0 s5, $0x0  }
0x1f: {  	s9 =	smul.u32 $0xF7A, s1;
	s8 =	simm.s32 @!p0 $0x1BF5;
	p2 =	por !p2, p0  }
0x20: {  	[sflag:s8] =	ssyncset.s32 @!p0 $0xFFFFF086;
	s6 =	sadd.s32 @!p0 s3, s7;
	s7 =	simm.s32 @!p0 $0x108  }
0x21: {  	s3 =	sadd.s32 s3, s9;
	s6 =	sadd.s32 @!p0 $0x88, s6;
	s7 =	simm.s32 @p2 $0x1082  }
0x22: {  	[simem:s7], [sflag:s8] =	dma.local @!p0 [hbm:s6], $0xF7A  }
0x23: {  	s9 =	sor.u32 $0xD0000000, s2;
	s6 =	simm.s32 $0x108;
	_ =	swait.ge @!p0 [sflag:s8], $0x0  }
0x24: {  	s3 =	sadd.s32 $0x88, s3;
	s6 =	simm.s32 @!p1 $0x1082;
	[sflag:s4] =	ssyncset.s32 $0xFFFFF086  }
0x25: {  	[simem:s6], [sflag:s4] =	dma.local [hbm:s3], $0xF7A  }
0x26: {  	[smem:$0x3F9E] =	sst s1;
	(tag) =	ssettag s2;
	_ =	strace s9  }
0x27: {  	s1 =	sld [smem:$0x3FAE]  }
0x28: {  	s2 =	sld [smem:$0x3FAF]  }
0x29: {  	s4 =	sld [smem:$0x3FB1]  }
0x2a: {  	p0 =	seq.s32 s5, $0x0;
	s5 =	sld [smem:$0x3FB2]  }
0x2b: {  	s6 =	sld [smem:$0x3FB3]  }
0x2c: {  	s7 =	sld [smem:$0x3FB4]  }
0x2d: {  	s3 =	simm.s32 $0x108;
	s8 =	sld [smem:$0x3FB5]  }
0x2e: {  	s3 =	simm.s32 @!p0 $0x1082;
	s9 =	sld [smem:$0x3FB6]  }
0x2f: {  	lr =	sadd.s32 s0, s3;
	s0 =	sld [smem:$0x3FAD]  }
0x30: {  	s3 =	sld [smem:$0x3FB0]  }
0x31: {  	[smem:$0x3FB9] =	sst s10  }
0x32: {  	s10 =	sld [smem:$0x3FB7];
	_ =	sdelay $0x3  }
0x33: {  	p0 =	seq.s32 s10, $0x1;
	s10 =	sld [smem:$0x3FB9];
	_ =	sdelay $0x3  }
0x34: {  	[smem:$0x3FB9] =	sst s10  }
0x35: {  	s10 =	sld [smem:$0x3FB8];
	_ =	sdelay $0x3  }
0x36: {  	p1 =	seq.s32 s10, $0x1;
	s10 =	sld [smem:$0x3FB9];
	_ =	sdelay $0x3  }
0x37: {  	[smem:$0x3FB9] =	sst s10  }
0x38: {  	s10 =	sld [smem:$0x3FBA]  }
0x39: {  	_ = 	snop;
	(pc) =	sbr.ind lr, $3  }
0x3a: {  	_ = 	snop  }
0x3b: {  	_ = 	snop  }
0x3c: {  	p2 =	seq.s32 s10, $0x1;
	s10 =	sld [smem:$0x3FB9]  }
0x3d: {  	_ =	shalt  }
0x3e: {  	_ =	shalt  }
0x3f: {  	_ =	shalt  }
0x40: {  	_ =	shalt  }
0x41: {  	_ =	shalt  }
0x42: {  	_ =	shalt  }
0x43: {  	_ =	shalt  }
0x44: {  	_ =	shalt  }
0x45: {  	_ =	shalt  }
0x46: {  	_ =	shalt  }
0x47: {  	_ =	shalt  }
0x48: {  	_ =	shalt  }
0x49: {  	_ =	shalt  }
0x4a: {  	_ =	shalt  }
0x4b: {  	_ =	shalt  }
0x4c: {  	_ =	shalt  }
0x4d: {  	_ =	shalt  }
0x4e: {  	_ =	shalt  }
0x4f: {  	_ =	shalt  }
0x50: {  	_ =	shalt  }
0x51: {  	_ =	shalt  }
0x52: {  	_ =	shalt  }
0x53: {  	_ =	shalt  }
0x54: {  	_ =	shalt  }
0x55: {  	_ =	shalt  }
0x56: {  	_ =	shalt  }
0x57: {  	_ =	shalt  }
0x58: {  	_ =	shalt  }
0x59: {  	_ =	shalt  }
0x5a: {  	_ =	shalt  }
0x5b: {  	_ =	shalt  }
0x5c: {  	_ =	shalt  }
0x5d: {  	_ =	shalt  }
0x5e: {  	_ =	shalt  }
0x5f: {  	_ =	shalt  }
0x60: {  	_ =	shalt  }
0x61: {  	_ =	shalt  }
0x62: {  	_ =	shalt  }
0x63: {  	_ =	shalt  }
0x64: {  	_ =	shalt  }
0x65: {  	_ =	shalt  }
0x66: {  	_ =	shalt  }
0x67: {  	_ =	shalt  }
0x68: {  	_ =	shalt  }
0x69: {  	_ =	shalt  }
0x6a: {  	_ =	shalt  }
0x6b: {  	_ =	shalt  }
0x6c: {  	_ =	shalt  }
0x6d: {  	_ =	shalt  }
0x6e: {  	_ =	shalt  }
0x6f: {  	_ =	shalt  }
0x70: {  	_ =	shalt  }
0x71: {  	_ =	shalt  }
0x72: {  	_ =	shalt  }
0x73: {  	_ =	shalt  }
0x74: {  	_ =	shalt  }
0x75: {  	_ =	shalt  }
0x76: {  	_ =	shalt  }
0x77: {  	_ =	shalt  }
0x78: {  	_ =	shalt  }
0x79: {  	_ =	shalt  }
0x7a: {  	_ =	shalt  }
0x7b: {  	_ =	shalt  }
0x7c: {  	_ =	shalt  }
0x7d: {  	_ =	shalt  }
0x7e: {  	_ =	shalt  }
0x7f: {  	_ =	shalt  }
0x80: {  	_ =	shalt  }
0x81: {  	_ =	shalt  }
0x82: {  	_ =	shalt  }
0x83: {  	_ =	shalt  }
0x84: {  	_ =	shalt  }
0x85: {  	_ =	shalt  }
0x86: {  	_ =	shalt  }
0x87: {  	_ =	shalt  }
.Lfunc_end0:
.L_simem_size_0:
called_computation_lowered:
.L_overlay_start_0:
0x88: {  	s2 =	sld [smem:$0x3FD9]  }
0x89: {  	s3 =	sld [smem:$0x3FFE];
	_ =	sdelay $0x1  }
0x8a: {  	s1 =	srdreg.scid  }
0x8b: {  	s0 =	sand.u32 $0x1, s1  }
0x8c: {  	s17 =	sshll.u32 s0, $0xA;
	s2 =	sadd.s32 s3, s2  }
0x8d: {  	s2 =	sadd.s32 s2, s17  }
0x8e: {  	[smem:$0x3FC5] =	sst s2  }
0x8f: {  	_ = 	snop  }
0x90: {  	s2 =	sld [smem:$0x3FC9]  }
0x91: {  	s18 =	sld [smem:$0x3FC8]  }
0x92: {  	s4 =	sld [smem:$0x3FC7];
	(tm) =	ssettm $0x1  }
0x93: {  	s5 =	sld [smem:$0x3FFB];
	_ =	sdelay $0x3  }
0x94: {  	_ =	strace s5  }
0x95: {  	s5 =	sld [smem:$0x3FFC];
	_ =	sdelay $0x3  }
0x96: {  	_ =	strace s5  }
0x97: {  	s5 =	sld [smem:$0x3FFD];
	_ =	sdelay $0x3  }
0x98: {  	_ =	strace s5  }
0x99: {  	_ =	strace $0x8FFFFFFF  }
0x9a: {  	s19 =	sld [smem:$0x3FDB];
	_ =	sdelay $0x1  }
0x9b: {  	s6 =	simm.s32 $_scs_section_size  }
0x9c: {  	s7 =	simm.s32 $_size__tile_overlayer_lowered;
	s8 =	simm.s32 $_tile_overlayer_lowered  }
0x9d: {  	s22 =	simm.s32 $0x1BFF;
	s21 =	sshll.u32 s8, $0x1;
	s5 =	sadd.s32 s6, s19  }
0x9e: {  	s9 =	simm.s32 $0x0;
	s20 =	sshll.u32 s7, $0x1;
	s7 =	sadd.s32 s21, s5  }
0x9f: {  	[timem:s9], [sflag:s22] =	dma.local [hbm:s7], s20  }
0xa0: {  	_ =	swait.ge [sflag:s22], s20  }
0xa1: {  	s6 =	ssub.s32 $0x0, s20;
	[sflag:s22] =	ssyncset.done $0x0  }
0xa2: {  	[sflag:s22] =	ssyncadd.s32 s6;
	_ =	sdelay $0x1  }
0xa3: {  	s23 =	simm.s32 $0x1B8B  }
0xa4: {  	_ =	swait.ge [sflag:s23], $0x1  }
0xa5: {  	[sflag:s23] =	ssyncset.done $0x0  }
0xa6: {  	s25 =	simm.s32 $0x1B8E;
	s24 =	sld [smem:$0x3FFE];
	[sflag:s23] =	ssyncadd.s32 $0xFFFFFFFF  }
0xa7: {  	s26 =	simm.s32 $execute0_lowered;
	[smem:$0x3FD2] =	sst s25  }
0xa8: {  	s7 =	sshll.u32 s26, $0x1;
	_ =	strace $0x80000046;
	[dreg:$0x1] =	wrdreg $0xFFFFFFFF  }
0xa9: {  	s28 =	simm.s32 $_size_execute0_lowered;
	s5 =	sadd.s32 s5, s7;
	[dreg:$0x0] =	wrdreg $0x0  }
0xaa: {  	s7 =	sshll.u32 s28, $0x1;
	[dreg:$0x2] =	wrdreg s5  }
0xab: {  	[dreg:$0x3] =	wrdreg s7  }
0xac: {  	[dreg:$0x4] =	wrdreg $0xC0  }
0xad: {  	_ =	task [dreg:s9], $0x5FFFF  }
0xae: {  	[dreg:$0x1] =	wrdreg $0xFFFFFFFF  }
0xaf: {  	[dreg:$0x0] =	wrdreg $0x60  }
0xb0: {  	[dreg:$0x2] =	wrdreg s2  }
0xb1: {  	[dreg:$0x3] =	wrdreg s18  }
0xb2: {  	[dreg:$0x4] =	wrdreg s4  }
0xb3: {  	[dreg:$0x5] =	wrdreg s24  }
0xb4: {  	[dreg:$0x6] =	wrdreg $0x9  }
0xb5: {  	_ =	task.clear_ibuf [dreg:s9], $0x7FFFF;
	_ =	strace $0x90000046  }
0xb6: {  	s29 =	simm.s32 $0x9;
	_ =	strace $0x80000048  }
0xb7: {  	_ =	swait.ge [sflag:s29], $0x1  }
0xb8: {  	[sflag:s29] =	ssyncadd.s32 $0xFFFFFFFF  }
0xb9: {  	_ =	strace $0x90000048  }
0xba: {  	_ =	sfence  }
0xbb: {  	s30 =	sld [smem:$0x0];
	_ =	sdelay $0x2  }
0xbc: {  	s31 =	sshll.u32 s1, $0xD;
	s1 =	sshrl.u32 s1, $0x2  }
0xbd: {  	s3 =	sand.u32 $0x4000, s31;
	s1 =	sadd.s32 s1, s30  }
0xbe: {  	s0 =	sor.u32 s3, s0;
	s1 =	sshll.u32 s1, $0x11  }
0xbf: {  	s0 =	sor.u32 s1, s0  }
0xc0: {  	s0 =	sadd.s32 $0x8F2B, s0  }
0xc1: {  	[sflag:s0] =	ssyncadd.remote.s32 $0x1  }
0xc2: {  	_ =	sfence.sel $0xFFFF  }
0xc3: {  	[dreg:$0x0] =	wrdreg $0xFFFFFFFF;
	(pc) =	sbr.abs _section_cstart, $3  }
0xc4: {  	[dreg:$0x1] =	wrdreg $0xFFFFFFFF  }
0xc5: {  	_ =	task.clear_ibuf [dreg:s9], $0x2FFFF;
	_ =	strace $0x9FFFFFFF  }
0xc6: {  	(tm) =	ssettm $0x7FFFFFFF  }
0xc7: {  	_ =	shalt  }
tec
execute0_lowered:
.L_overlay_start_1:
0x0: {  	(tag) =	ssettag $0x1  }
0x1: {  	s1 =	rddreg [dreg:$0x0]  }
0x2: {  	s0 =	rddreg [dreg:$0x1]  }
0x3: {  	s3 =	rddreg [dreg:$0x2]  }
0x4: {  	s2 =	rddreg [dreg:$0x3]  }
0x5: {  	s4 =	srdreg.scid;
	s7 =	stileid.u32  }
0x6: {  	s11 =	simm.s32 $0x5;
	s21 =	simm.s32 $0x4200;
	s22 =	simm.s32 $0x4A00  }
0x7: {  	s23 =	simm.s32 $0x5200;
	s28 =	simm.s32 $0x7200;
	s29 =	simm.s32 $0x7A00  }
0x8: {  	s30 =	simm.s32 $0xC200;
	s31 =	simm.s32 $0x1;
	s12 =	simm.s32 $0x4  }
0x9: {  	s14 =	simm.s32 $0x0;
	s5 =	sand.u32 $0x1, s4;
	s4 =	simm.s32 $0x0  }
0xa: {  	s7 =	sshll.u32 s7, $0x1;
	s6 =	ssub.s32 $0x2, s5;
	[smem:$0x7FF] =	sst s4  }
0xb: {  	s9 =	sor.u32 s5, s7;
	s7 =	sadd.s32 $0x100, s3;
	s8 =	sshrl.u32 s6, $0x1  }
0xc: {  	v2 =	vlaneseq.u32;
	_ =	strace $0x80000047;
	s24 =	sshll.u32 s9, $0x6;
	s5 =	sshll.u32 s9, $0x9  }
0xd: {  	v0 =	vand.u32 $0x7, v2;
	v1 =	vshrl.u32 v2, $0x3;
	s25 =	sshll.u32 s9, $0xF;
	s26 =	sshll.u32 s9, $0x4;
	s10 =	ssub.s32 s6, s8  }
0xe: {  	v63 =	vor.u32 $0x8, v2;
	v62 =	vmul.u32 $0x8, v1;
	[tilespmem:$0x1FFD0] =	vst v0;
	s6 =	sadd.s32 s0, s24;
	s8 =	sadd.s32 s1, s25;
	s9 =	sadd.s32 s2, s26  }
0xf: {  	[tilespmem:$0x1FFF0] =	vst v63;
	s24 =	simm.s32 $0x5A00;
	s25 =	simm.s32 $0x6200;
	s26 =	simm.s32 $0x6A00  }
0x10: {  	vm0 =	vmmov $0xffff;
	s0 =	simm.s32 $0x3;
	s2 =	simm.s32 $0x2;
	[tilespmem:$0x1FFE0] =	vst v62;
	s10 =	smax.u32 s10, $0x1  }
.LBB2_1:
0x11: {  	[tilespmem:s4], [sflag:$0x5] =	stream.linear.gather [hbm4b:s6+s4], $0x200, $0x38;
	[tilespmem:$0x10280] =	vst v63  }
0x12: {  	_ =	swait.ge [sflag:s11], $0x200  }
0x13: {  	[sflag:s11] =	ssyncset.done $0x0  }
0x14: {  	[sflag:s11] =	ssyncadd.s32 $0xFFFFFE00  }
0x15: {  	v3 =	vld [tilespmem:$0x0];
	_ =	sdelay $0x2  }
0x16: {  	v0 =	vld [tilespmem:$0x1FFD0];
	_ =	sdelay $0x1  }
0x17: {  	v1 =	vld [tilespmem:$0x1FFE0];
	v4 =	vshll.u32 v3, $0x2  }
0x18: {  	v3 =	vand.u32 $0x7, v3;
	v4 =	vand.u32 $0xFFFFFFE0, v4  }
0x19: {  	v2 =	vld [tilespmem:$0x1FFF0];
	v3 =	vor.u32 v3, v4  }
0x1a: {  	v4 =	vperm.xlane v3, v0;
	_ =	sdelay $0x1  }
0x1b: {  	v4 =	vadd.s32 v1, v4;
	_ =	sdelay $0x1  }
0x1c: {  	v3 =	vperm.xlane v3, v2;
	_ =	sdelay $0x1  }
0x1d: {  	s13 =	simm.s32 $0x200;
	v3 =	vadd.s32 v1, v3  }
0x1e: {  	[tilespmem:s13], [sflag:$0x1] =	stream.indirect_vreg.gather [hbm4b:s3+s4], $0x80, v4, vm0, $0xb8;
	[tilespmem:$0x10280] =	vst v63  }
0x1f: {  	s19 =	simm.s32 $0xA00  }
0x20: {  	[tilespmem:s19], [sflag:$0x1] =	stream.indirect_vreg.gather [hbm4b:s7+s4], $0x80, v4, vm0, $0xb8;
	[tilespmem:$0x10280] =	vst v63  }
0x21: {  	s20 =	simm.s32 $0x1200  }
0x22: {  	[tilespmem:s20], [sflag:$0x1] =	stream.indirect_vreg.gather [hbm4b:s3+s4], $0x80, v3, vm0, $0xb8;
	[tilespmem:$0x10280] =	vst v63  }
0x23: {  	s15 =	simm.s32 $0x1A00  }
0x24: {  	[tilespmem:s15], [sflag:$0x1] =	stream.indirect_vreg.gather [hbm4b:s7+s4], $0x80, v3, vm0, $0xb8;
	[tilespmem:$0x10280] =	vst v63  }
0x25: {  	v3 =	vld [tilespmem:$0x10];
	_ =	sdelay $0x4  }
0x26: {  	v4 =	vshll.u32 v3, $0x2  }
0x27: {  	v3 =	vand.u32 $0x7, v3;
	v4 =	vand.u32 $0xFFFFFFE0, v4  }
0x28: {  	v3 =	vor.u32 v3, v4  }
0x29: {  	v4 =	vperm.xlane v3, v0;
	_ =	sdelay $0x1  }
0x2a: {  	v4 =	vadd.s32 v1, v4;
	_ =	sdelay $0x1  }
0x2b: {  	v3 =	vperm.xlane v3, v2;
	_ =	sdelay $0x1  }
0x2c: {  	s16 =	simm.s32 $0x2200;
	v3 =	vadd.s32 v1, v3  }
0x2d: {  	[tilespmem:s16], [sflag:$0x1] =	stream.indirect_vreg.gather [hbm4b:s3+s4], $0x80, v4, vm0, $0xb8;
	[tilespmem:$0x10280] =	vst v63  }
0x2e: {  	s17 =	simm.s32 $0x2A00  }
0x2f: {  	[tilespmem:s17], [sflag:$0x1] =	stream.indirect_vreg.gather [hbm4b:s7+s4], $0x80, v4, vm0, $0xb8;
	[tilespmem:$0x10280] =	vst v63  }
0x30: {  	s18 =	simm.s32 $0x3200  }
0x31: {  	[tilespmem:s18], [sflag:$0x1] =	stream.indirect_vreg.gather [hbm4b:s3+s4], $0x80, v3, vm0, $0xb8;
	[tilespmem:$0x10280] =	vst v63  }
0x32: {  	s19 =	simm.s32 $0x3A00  }
0x33: {  	[tilespmem:s19], [sflag:$0x1] =	stream.indirect_vreg.gather [hbm4b:s7+s4], $0x80, v3, vm0, $0xb8;
	[tilespmem:$0x10280] =	vst v63  }
0x34: {  	v5 =	vimm.f32 $0.0e+00;
	s20 =	simm.s32 $0x8200;
	s15 =	simm.s32 $0x0  }
0x35: {  	v6 =	vimm.f32 $0.0e+00;
	v4 =	vimm.f32 $0.0e+00;
	v3 =	vimm.f32 $0.0e+00;
	[tilespmem:s20], [sflag:$0x3] =	stream.linear.gather [hbm4b:s8+s4], $0x4000, $0x38;
	[tilespmem:$0x10280] =	vst v63  }
.LBB2_2:
0x36: {  	s16 =	sshll.u32 s15, $0x6  }
0x37: {  	v7 =	vld [tilespmem:s16+$0x20];
	_ =	sdelay $0x2  }
0x38: {  	v0 =	vld [tilespmem:$0x1FFD0];
	_ =	sdelay $0x1  }
0x39: {  	v1 =	vld [tilespmem:$0x1FFE0];
	v8 =	vshll.u32 v7, $0x2  }
0x3a: {  	v7 =	vand.u32 $0x7, v7;
	v8 =	vand.u32 $0xFFFFFFE0, v8  }
0x3b: {  	v2 =	vld [tilespmem:$0x1FFF0];
	v7 =	vor.u32 v7, v8  }
0x3c: {  	v8 =	vperm.xlane v7, v0;
	_ =	sdelay $0x1  }
0x3d: {  	v8 =	vadd.s32 v1, v8;
	_ =	sdelay $0x1  }
0x3e: {  	v7 =	vperm.xlane v7, v2;
	_ =	sdelay $0x1  }
0x3f: {  	s17 =	simm.s32 $0x0;
	v7 =	vadd.s32 v1, v7  }
0x40: {  	[tilespmem:s21], [sflag:$0x2] =	stream.indirect_vreg.gather [hbm4b:s3+s17], $0x80, v8, vm0, $0xb8;
	[tilespmem:$0x10280] =	vst v63  }
0x41: {  	_ = 	snop  }
0x42: {  	[tilespmem:s22], [sflag:$0x2] =	stream.indirect_vreg.gather [hbm4b:s7+s17], $0x80, v8, vm0, $0xb8;
	[tilespmem:$0x10280] =	vst v63  }
0x43: {  	_ = 	snop  }
0x44: {  	[tilespmem:s23], [sflag:$0x2] =	stream.indirect_vreg.gather [hbm4b:s3+s17], $0x80, v7, vm0, $0xb8;
	[tilespmem:$0x10280] =	vst v63  }
0x45: {  	_ = 	snop  }
0x46: {  	[tilespmem:s24], [sflag:$0x2] =	stream.indirect_vreg.gather [hbm4b:s7+s17], $0x80, v7, vm0, $0xb8;
	[tilespmem:$0x10280] =	vst v63  }
0x47: {  	v7 =	vld [tilespmem:s16+$0x30];
	_ =	sdelay $0x4  }
0x48: {  	v8 =	vshll.u32 v7, $0x2  }
0x49: {  	v7 =	vand.u32 $0x7, v7;
	v8 =	vand.u32 $0xFFFFFFE0, v8  }
0x4a: {  	v7 =	vor.u32 v7, v8  }
0x4b: {  	v8 =	vperm.xlane v7, v0;
	_ =	sdelay $0x1  }
0x4c: {  	v8 =	vadd.s32 v1, v8;
	_ =	sdelay $0x1  }
0x4d: {  	v7 =	vperm.xlane v7, v2;
	_ =	sdelay $0x1  }
0x4e: {  	v7 =	vadd.s32 v1, v7  }
0x4f: {  	[tilespmem:s25], [sflag:$0x2] =	stream.indirect_vreg.gather [hbm4b:s3+s17], $0x80, v8, vm0, $0xb8;
	[tilespmem:$0x10280] =	vst v63  }
0x50: {  	s18 =	sor.u32 $0x20, s16  }
0x51: {  	[tilespmem:s26], [sflag:$0x2] =	stream.indirect_vreg.gather [hbm4b:s7+s17], $0x80, v8, vm0, $0xb8;
	[tilespmem:$0x10280] =	vst v63  }
0x52: {  	s18 =	sadd.s32 s5, s18  }
0x53: {  	[tilespmem:s28], [sflag:$0x2] =	stream.indirect_vreg.gather [hbm4b:s3+s17], $0x80, v7, vm0, $0xb8;
	[tilespmem:$0x10280] =	vst v63  }
0x54: {  	s18 =	sshll.u32 s18, $0x6  }
0x55: {  	[tilespmem:s29], [sflag:$0x2] =	stream.indirect_vreg.gather [hbm4b:s7+s17], $0x80, v7, vm0, $0xb8;
	[tilespmem:$0x10280] =	vst v63  }
0x56: {  	s18 =	sadd.s32 s1, s18  }
0x57: {  	[tilespmem:s30], [sflag:$0x4] =	stream.linear.gather [hbm4b:s18+s17], $0x4000, $0x38;
	[tilespmem:$0x10280] =	vst v63  }
0x58: {  	_ =	swait.ge [sflag:s31], $0x4000  }
0x59: {  	[sflag:s31] =	ssyncset.done $0x0  }
0x5a: {  	[sflag:s31] =	ssyncadd.s32 $0xFFFFC000  }
0x5b: {  	_ =	swait.ge [sflag:s0], $0x4000  }
0x5c: {  	s20 =	sand.u32 $0x3000, s17;
	s19 =	sand.u32 $0x380, s17;
	[sflag:s0] =	ssyncset.done $0x0  }
0x5d: {  	s18 =	sor.u32 s19, s20;
	[sflag:s0] =	ssyncadd.s32 $0xFFFFC000  }
0x5e: {  	v7 =	vld [tilespmem:s18+$0x8E40]  }
0x5f: {  	v8 =	vld [tilespmem:s18+$0xE40]  }
0x60: {  	v9 =	vld [tilespmem:s18+$0x8E50]  }
0x61: {  	v10 =	vld [tilespmem:s18+$0xE50]  }
0x62: {  	v11 =	vld [tilespmem:s18+$0x8E60]  }
0x63: {  	v12 =	vld [tilespmem:s18+$0xE60]  }
0x64: {  	v13 =	vld [tilespmem:s18+$0x8E70]  }
0x65: {  	v14 =	vld [tilespmem:s18+$0xE70]  }
0x66: {  	v17 =	vld [tilespmem:s18+$0x8E00]  }
0x67: {  	v18 =	vld [tilespmem:s18+$0xE00]  }
0x68: {  	v19 =	vld [tilespmem:s18+$0x8E10]  }
0x69: {  	v20 =	vld [tilespmem:s18+$0xE10]  }
0x6a: {  	v21 =	vld [tilespmem:s18+$0x8E20]  }
0x6b: {  	v22 =	vld [tilespmem:s18+$0xE20]  }
0x6c: {  	v23 =	vld [tilespmem:s18+$0x8E30]  }
0x6d: {  	v25 =	vld [tilespmem:s18+$0xE30]  }
0x6e: {  	v26 =	vld [tilespmem:s18+$0x8A40]  }
0x6f: {  	v27 =	vld [tilespmem:s18+$0xA40]  }
0x70: {  	v29 =	vld [tilespmem:s18+$0x8A50]  }
0x71: {  	v32 =	vld [tilespmem:s18+$0xA50]  }
0x72: {  	v36 =	vld [tilespmem:s18+$0x8A60]  }
0x73: {  	v37 =	vld [tilespmem:s18+$0xA60]  }
0x74: {  	v39 =	vld [tilespmem:s18+$0x8A70]  }
0x75: {  	v40 =	vld [tilespmem:s18+$0xA70]  }
0x76: {  	v41 =	vld [tilespmem:s18+$0x8A00]  }
0x77: {  	v42 =	vld [tilespmem:s18+$0xA00]  }
0x78: {  	v43 =	vld [tilespmem:s18+$0x8A10]  }
0x79: {  	v44 =	vld [tilespmem:s18+$0xA10]  }
0x7a: {  	v45 =	vld [tilespmem:s18+$0x8A20]  }
0x7b: {  	v46 =	vld [tilespmem:s18+$0xA20]  }
0x7c: {  	v47 =	vld [tilespmem:s18+$0x8A30]  }
0x7d: {  	v48 =	vld [tilespmem:s18+$0xA30]  }
0x7e: {  	v49 =	vld [tilespmem:s18+$0x8640]  }
0x7f: {  	v50 =	vld [tilespmem:s18+$0x640]  }
0x80: {  	v51 =	vld [tilespmem:s18+$0x8650]  }
0x81: {  	v52 =	vld [tilespmem:s18+$0x650]  }
0x82: {  	v53 =	vld [tilespmem:s18+$0x8660]  }
0x83: {  	v54 =	vld [tilespmem:s18+$0x660]  }
0x84: {  	v55 =	vld [tilespmem:s18+$0x8670]  }
0x85: {  	v56 =	vld [tilespmem:s18+$0x670]  }
0x86: {  	v57 =	vld [tilespmem:s18+$0x8600]  }
0x87: {  	v58 =	vld [tilespmem:s18+$0x600]  }
0x88: {  	v59 =	vld [tilespmem:s18+$0x8610]  }
0x89: {  	v60 =	vld [tilespmem:s18+$0x610]  }
0x8a: {  	v61 =	vld [tilespmem:s18+$0x8620]  }
0x8b: {  	v62 =	vld [tilespmem:s18+$0x620]  }
0x8c: {  	v30 =	vld [tilespmem:s18+$0x8630]  }
0x8d: {  	v33 =	vld [tilespmem:s18+$0x630]  }
0x8e: {  	v28 =	vld [tilespmem:s18+$0x8240];
	v15 =	vsub.f32 v7, v8  }
0x8f: {  	v34 =	vld [tilespmem:s18+$0x240];
	v16 =	vsub.f32 v9, v10;
	v8 =	vsub.f32 v11, v12  }
0x90: {  	v31 =	vld [tilespmem:s18+$0x8250];
	v17 =	vsub.f32 v17, v18;
	v7 =	vsub.f32 v13, v14  }
0x91: {  	v35 =	vld [tilespmem:s18+$0x250];
	v18 =	vsub.f32 v19, v20;
	v10 =	vsub.f32 v21, v22  }
0x92: {  	v24 =	vld [tilespmem:s18+$0x8260];
	v21 =	vsub.f32 v26, v27;
	v9 =	vsub.f32 v23, v25  }
0x93: {  	v38 =	vld [tilespmem:s18+$0x8200];
	v22 =	vsub.f32 v29, v32;
	v12 =	vsub.f32 v36, v37  }
0x94: {  	v26 =	vld [tilespmem:s18+$0x260];
	v23 =	vsub.f32 v41, v42;
	v11 =	vsub.f32 v39, v40  }
0x95: {  	v40 =	vld [tilespmem:s18+$0x200];
	v25 =	vsub.f32 v43, v44;
	v14 =	vsub.f32 v45, v46  }
0x96: {  	v39 =	vld [tilespmem:s18+$0x8210];
	v29 =	vsub.f32 v49, v50;
	v13 =	vsub.f32 v47, v48  }
0x97: {  	v42 =	vld [tilespmem:s18+$0x210];
	v32 =	vsub.f32 v51, v52;
	v20 =	vsub.f32 v53, v54  }
0x98: {  	v41 =	vld [tilespmem:s18+$0x8220];
	v36 =	vsub.f32 v57, v58;
	v19 =	vsub.f32 v55, v56  }
0x99: {  	s19 =	simm.s32 $0x200;
	v43 =	vld [tilespmem:s18+$0x220];
	v37 =	vsub.f32 v59, v60;
	v27 =	vsub.f32 v61, v62  }
.LBB2_3:
0x9a: {  	p0 =	sne.s32 s19, $0x3E00;
	v44 =	vld [tilespmem:s18+$0x8230];
	v30 =	vsub.f32 v30, v33;
	v33 =	vmul.f32 v15, v15;
	v45 =	vmul.f32 v16, v16  }
0x9b: {  	v28 =	vsub.f32 v28, v34;
	v34 =	vmul.f32 v17, v17;
	v47 =	vmul.f32 v18, v18;
	s17 =	sadd.s32 $0x80, s17;
	v46 =	vld [tilespmem:s18+$0x230]  }
0x9c: {  	s20 =	sand.u32 $0x3000, s19;
	v18 =	vsub.f32 v31, v35;
	v35 =	vmul.f32 v21, v21;
	v48 =	vmul.f32 v22, v22;
	s13 =	sand.u32 $0x380, s17;
	v31 =	vld [tilespmem:s18+$0x8270]  }
0x9d: {  	v21 =	vsub.f32 v38, v40;
	v38 =	vmul.f32 v23, v23;
	v25 =	vmul.f32 v25, v25;
	v22 =	vld [tilespmem:s18+$0x270];
	s18 =	sor.u32 s13, s20  }
0x9e: {  	v29 =	vmul.f32 v29, v29;
	v32 =	vmul.f32 v32, v32;
	v23 =	vsub.f32 v39, v42;
	v15 =	vld [tilespmem:s18+$0x8E40]  }
0x9f: {  	v36 =	vmul.f32 v36, v36;
	v37 =	vmul.f32 v37, v37;
	v39 =	vsub.f32 v41, v43;
	v16 =	vld [tilespmem:s18+$0xE40]  }
0xa0: {  	v28 =	vmul.f32 v28, v28;
	v41 =	vmul.f32 v18, v18;
	v17 =	vld [tilespmem:s18+$0x8E50];
	v40 =	vsub.f32 v44, v46  }
0xa1: {  	v24 =	vsub.f32 v24, v26;
	v42 =	vmul.f32 v21, v21;
	v23 =	vmul.f32 v23, v23;
	v18 =	vld [tilespmem:s18+$0xE50]  }
0xa2: {  	v26 =	vmul.f32 v39, v39;
	v21 =	vld [tilespmem:s18+$0x8E60];
	v39 =	vmul.f32 v40, v40;
	v31 =	vsub.f32 v31, v22  }
0xa3: {  	v6 =	vadd.f32 v42, v6;
	v5 =	vadd.f32 v23, v5;
	v40 =	vmul.f32 v24, v24;
	v22 =	vld [tilespmem:s18+$0xE60]  }
0xa4: {  	v4 =	vadd.f32 v26, v4;
	v23 =	vld [tilespmem:s18+$0x8E70];
	v3 =	vadd.f32 v39, v3;
	v26 =	vmul.f32 v31, v31  }
0xa5: {  	v27 =	vmul.f32 v27, v27;
	v6 =	vadd.f32 v28, v6;
	v5 =	vadd.f32 v41, v5;
	v24 =	vld [tilespmem:s18+$0xE70]  }
0xa6: {  	v4 =	vadd.f32 v40, v4;
	v39 =	vld [tilespmem:s18+$0x8E00];
	v3 =	vadd.f32 v26, v3;
	v26 =	vmul.f32 v30, v30  }
0xa7: {  	v20 =	vmul.f32 v20, v20;
	v6 =	vadd.f32 v36, v6;
	v5 =	vadd.f32 v37, v5;
	v40 =	vld [tilespmem:s18+$0xE00]  }
0xa8: {  	v19 =	vmul.f32 v19, v19;
	v4 =	vadd.f32 v27, v4;
	v36 =	vld [tilespmem:s18+$0x8E10];
	v3 =	vadd.f32 v26, v3  }
0xa9: {  	v14 =	vmul.f32 v14, v14;
	v6 =	vadd.f32 v29, v6;
	v5 =	vadd.f32 v32, v5;
	v26 =	vld [tilespmem:s18+$0xE10]  }
0xaa: {  	v13 =	vmul.f32 v13, v13;
	v4 =	vadd.f32 v20, v4;
	v27 =	vld [tilespmem:s18+$0x8E20];
	v3 =	vadd.f32 v19, v3  }
0xab: {  	v12 =	vmul.f32 v12, v12;
	v6 =	vadd.f32 v38, v6;
	v5 =	vadd.f32 v25, v5;
	v19 =	vld [tilespmem:s18+$0xE20]  }
0xac: {  	v11 =	vmul.f32 v11, v11;
	v4 =	vadd.f32 v14, v4;
	v20 =	vld [tilespmem:s18+$0x8E30];
	v3 =	vadd.f32 v13, v3  }
0xad: {  	v10 =	vmul.f32 v10, v10;
	v6 =	vadd.f32 v35, v6;
	v5 =	vadd.f32 v48, v5;
	v13 =	vld [tilespmem:s18+$0xE30]  }
0xae: {  	v9 =	vmul.f32 v9, v9;
	v4 =	vadd.f32 v12, v4;
	v14 =	vld [tilespmem:s18+$0x8A40];
	v3 =	vadd.f32 v11, v3  }
0xaf: {  	v8 =	vmul.f32 v8, v8;
	v6 =	vadd.f32 v34, v6;
	v5 =	vadd.f32 v47, v5;
	v11 =	vld [tilespmem:s18+$0xA40]  }
0xb0: {  	v7 =	vmul.f32 v7, v7;
	v4 =	vadd.f32 v10, v4;
	v12 =	vld [tilespmem:s18+$0x8A50];
	v3 =	vadd.f32 v9, v3  }
0xb1: {  	v6 =	vadd.f32 v33, v6;
	v5 =	vadd.f32 v45, v5;
	v25 =	vld [tilespmem:s18+$0xA50]  }
0xb2: {  	v4 =	vadd.f32 v8, v4;
	v29 =	vld [tilespmem:s18+$0x8A60];
	v3 =	vadd.f32 v7, v3  }
0xb3: {  	v32 =	vld [tilespmem:s18+$0xA60]  }
0xb4: {  	v37 =	vld [tilespmem:s18+$0x8A70]  }
0xb5: {  	v41 =	vld [tilespmem:s18+$0xA70]  }
0xb6: {  	v42 =	vld [tilespmem:s18+$0x8A00]  }
0xb7: {  	v43 =	vld [tilespmem:s18+$0xA00]  }
0xb8: {  	v44 =	vld [tilespmem:s18+$0x8A10]  }
0xb9: {  	v45 =	vld [tilespmem:s18+$0xA10]  }
0xba: {  	v46 =	vld [tilespmem:s18+$0x8A20]  }
0xbb: {  	v47 =	vld [tilespmem:s18+$0xA20]  }
0xbc: {  	v48 =	vld [tilespmem:s18+$0x8A30]  }
0xbd: {  	v49 =	vld [tilespmem:s18+$0xA30]  }
0xbe: {  	v50 =	vld [tilespmem:s18+$0x8640]  }
0xbf: {  	v51 =	vld [tilespmem:s18+$0x640]  }
0xc0: {  	v52 =	vld [tilespmem:s18+$0x8650]  }
0xc1: {  	v53 =	vld [tilespmem:s18+$0x650]  }
0xc2: {  	v54 =	vld [tilespmem:s18+$0x8660]  }
0xc3: {  	v55 =	vld [tilespmem:s18+$0x660]  }
0xc4: {  	v56 =	vld [tilespmem:s18+$0x8670]  }
0xc5: {  	v57 =	vld [tilespmem:s18+$0x670]  }
0xc6: {  	v58 =	vld [tilespmem:s18+$0x8600]  }
0xc7: {  	v59 =	vld [tilespmem:s18+$0x600]  }
0xc8: {  	v60 =	vld [tilespmem:s18+$0x8610]  }
0xc9: {  	v61 =	vld [tilespmem:s18+$0x610]  }
0xca: {  	v62 =	vld [tilespmem:s18+$0x8620]  }
0xcb: {  	v63 =	vld [tilespmem:s18+$0x620]  }
0xcc: {  	v30 =	vld [tilespmem:s18+$0x8630]  }
0xcd: {  	v33 =	vld [tilespmem:s18+$0x630]  }
0xce: {  	v15 =	vsub.f32 v15, v16;
	v28 =	vld [tilespmem:s18+$0x8240]  }
0xcf: {  	v16 =	vsub.f32 v17, v18;
	v8 =	vsub.f32 v21, v22;
	v34 =	vld [tilespmem:s18+$0x240]  }
0xd0: {  	v17 =	vsub.f32 v39, v40;
	v7 =	vsub.f32 v23, v24;
	v31 =	vld [tilespmem:s18+$0x8250]  }
0xd1: {  	v18 =	vsub.f32 v36, v26;
	v10 =	vsub.f32 v27, v19;
	v35 =	vld [tilespmem:s18+$0x250]  }
0xd2: {  	v9 =	vsub.f32 v20, v13;
	v21 =	vsub.f32 v14, v11;
	v24 =	vld [tilespmem:s18+$0x8260]  }
0xd3: {  	v22 =	vsub.f32 v12, v25;
	v12 =	vsub.f32 v29, v32;
	v26 =	vld [tilespmem:s18+$0x260]  }
0xd4: {  	v11 =	vsub.f32 v37, v41;
	v23 =	vsub.f32 v42, v43;
	v38 =	vld [tilespmem:s18+$0x8200]  }
.Ltmp0:
0xd5: {  	v25 =	vsub.f32 v44, v45;
	v14 =	vsub.f32 v46, v47;
	v40 =	vld [tilespmem:s18+$0x200];
	(pc) =	sbr.rel @p0 .LBB2_3-.Ltmp0, $4  }
0xd6: {  	v13 =	vsub.f32 v48, v49;
	v29 =	vsub.f32 v50, v51;
	v39 =	vld [tilespmem:s18+$0x8210]  }
0xd7: {  	v32 =	vsub.f32 v52, v53;
	v20 =	vsub.f32 v54, v55;
	v42 =	vld [tilespmem:s18+$0x210]  }
0xd8: {  	v19 =	vsub.f32 v56, v57;
	v36 =	vsub.f32 v58, v59;
	v41 =	vld [tilespmem:s18+$0x8220]  }
0xd9: {  	s19 =	sadd.s32 $0x200, s19;
	v37 =	vsub.f32 v60, v61;
	v27 =	vsub.f32 v62, v63;
	v43 =	vld [tilespmem:s18+$0x220]  }
0xda: {  	p0 =	seq.s32 s15, $0x7  }
0xdb: {  	v44 =	vld @!p0 [tilespmem:s16+$0x40];
	_ =	sdelay $0x4  }
0xdc: {  	v45 =	vshll.u32 @!p0 v44, $0x2  }
0xdd: {  	v46 =	vlaneseq.u32 @!p0;
	v44 =	vand.u32 @!p0 $0x7, v44;
	v45 =	vand.u32 @!p0 $0xFFFFFFE0, v45  }
0xde: {  	v47 =	vshrl.u32 @!p0 v46, $0x3;
	v44 =	vor.u32 @!p0 v44, v45;
	v45 =	vand.u32 @!p0 $0x7, v46  }
0xdf: {  	v47 =	vmul.u32 @!p0 $0x8, v47;
	v48 =	vperm.xlane @!p0 v44, v45;
	_ =	sdelay $0x1  }
0xe0: {  	v48 =	vadd.s32 @!p0 v47, v48  }
0xe1: {  	v46 =	vor.u32 @!p0 $0x8, v46  }
0xe2: {  	v49 =	vld [tilespmem:s18+$0x8230];
	v44 =	vperm.xlane @!p0 v44, v46  }
0xe3: {  	v50 =	vld [tilespmem:s18+$0x230]  }
0xe4: {  	v51 =	vld [tilespmem:s18+$0x8270];
	vm1 =	vmmov @!p0 $0xffff;
	s13 =	simm.s32 @!p0 $0x0;
	s17 =	simm.s32 @!p0 $0x200;
	v44 =	vadd.s32 @!p0 v47, v44  }
0xe5: {  	v52 =	vld [tilespmem:s18+$0x270];
	[tilespmem:s17], [sflag:$0x1] =	stream.indirect_vreg.gather @!p0 [hbm4b:s3+s13], $0x80, v48, vm1, $0xb8  }
0xe6: {  	s17 =	simm.s32 @!p0 $0xA00  }
0xe7: {  	[tilespmem:s17], [sflag:$0x1] =	stream.indirect_vreg.gather @!p0 [hbm4b:s7+s13], $0x80, v48, vm1, $0xb8;
	[tilespmem:$0x10280] =	vst v63  }
0xe8: {  	s17 =	simm.s32 @!p0 $0x1200  }
0xe9: {  	[tilespmem:s17], [sflag:$0x1] =	stream.indirect_vreg.gather @!p0 [hbm4b:s3+s13], $0x80, v44, vm1, $0xb8;
	[tilespmem:$0x10280] =	vst v63  }
0xea: {  	s17 =	simm.s32 @!p0 $0x1A00  }
0xeb: {  	[tilespmem:s17], [sflag:$0x1] =	stream.indirect_vreg.gather @!p0 [hbm4b:s7+s13], $0x80, v44, vm1, $0xb8;
	[tilespmem:$0x10280] =	vst v63  }
0xec: {  	v44 =	vld @!p0 [tilespmem:s16+$0x50];
	_ =	sdelay $0x4  }
0xed: {  	v48 =	vshll.u32 @!p0 v44, $0x2  }
0xee: {  	v44 =	vand.u32 @!p0 $0x7, v44;
	v48 =	vand.u32 @!p0 $0xFFFFFFE0, v48  }
0xef: {  	v44 =	vor.u32 @!p0 v44, v48  }
0xf0: {  	v45 =	vperm.xlane @!p0 v44, v45;
	_ =	sdelay $0x1  }
0xf1: {  	v45 =	vadd.s32 @!p0 v47, v45;
	_ =	sdelay $0x1  }
0xf2: {  	v44 =	vperm.xlane @!p0 v44, v46;
	_ =	sdelay $0x1  }
0xf3: {  	s17 =	simm.s32 @!p0 $0x2200;
	v44 =	vadd.s32 @!p0 v47, v44  }
0xf4: {  	[tilespmem:s17], [sflag:$0x1] =	stream.indirect_vreg.gather @!p0 [hbm4b:s3+s13], $0x80, v45, vm1, $0xb8;
	[tilespmem:$0x10280] =	vst v63  }
0xf5: {  	s16 =	sadd.s32 @!p0 $0x40, s16;
	s17 =	simm.s32 @!p0 $0x2A00  }
0xf6: {  	[tilespmem:s17], [sflag:$0x1] =	stream.indirect_vreg.gather @!p0 [hbm4b:s7+s13], $0x80, v45, vm1, $0xb8;
	[tilespmem:$0x10280] =	vst v63  }
0xf7: {  	s16 =	sadd.s32 @!p0 s5, s16;
	s17 =	simm.s32 @!p0 $0x3200  }
0xf8: {  	[tilespmem:s17], [sflag:$0x1] =	stream.indirect_vreg.gather @!p0 [hbm4b:s3+s13], $0x80, v44, vm1, $0xb8;
	[tilespmem:$0x10280] =	vst v63  }
0xf9: {  	s16 =	sshll.u32 @!p0 s16, $0x6;
	s17 =	simm.s32 @!p0 $0x3A00  }
0xfa: {  	[tilespmem:s17], [sflag:$0x1] =	stream.indirect_vreg.gather @!p0 [hbm4b:s7+s13], $0x80, v44, vm1, $0xb8;
	[tilespmem:$0x10280] =	vst v63  }
0xfb: {  	s16 =	sadd.s32 @!p0 s1, s16;
	s17 =	simm.s32 @!p0 $0x8200  }
0xfc: {  	[tilespmem:s17], [sflag:$0x3] =	stream.linear.gather @!p0 [hbm4b:s16+s13], $0x4000, $0x38;
	[tilespmem:$0x10280] =	vst v63  }
0xfd: {  	_ =	swait.ge [sflag:s2], $0x4000  }
0xfe: {  	[sflag:s2] =	ssyncset.done $0x0  }
0xff: {  	[sflag:s2] =	ssyncadd.s32 $0xFFFFC000  }
0x100: {  	s17 =	simm.s32 $0x0;
	_ =	swait.ge [sflag:s12], $0x4000  }
0x101: {  	s19 =	sand.u32 $0x3000, s17;
	s20 =	sand.u32 $0x380, s17;
	[sflag:s12] =	ssyncset.done $0x0  }
0x102: {  	s16 =	sor.u32 s20, s19;
	[sflag:s12] =	ssyncadd.s32 $0xFFFFC000  }
0x103: {  	v0 =	vld [tilespmem:s16+$0xCE40]  }
0x104: {  	v60 =	vld [tilespmem:s16+$0x4E00]  }
0x105: {  	v61 =	vld [tilespmem:s16+$0x4E20]  }
0x106: {  	v63 =	vld [tilespmem:s16+$0x4E30]  }
0x107: {  	v20 =	vmul.f32 v20, v20;
	v23 =	vmul.f32 v23, v23;
	v58 =	vld [tilespmem:s16+$0xCA40]  }
0x108: {  	v28 =	vsub.f32 v28, v34;
	v19 =	vmul.f32 v19, v19;
	v14 =	vmul.f32 v14, v14;
	[tilespmem:$0x1FF00] =	vst v0;
	v0 =	vld [tilespmem:s16+$0x4E40]  }
0x109: {  	v31 =	vsub.f32 v31, v35;
	v13 =	vmul.f32 v13, v13;
	v12 =	vmul.f32 v12, v12;
	v55 =	vld [tilespmem:s16+$0x4A40]  }
0x10a: {  	v24 =	vsub.f32 v24, v26;
	v11 =	vmul.f32 v11, v11;
	v10 =	vmul.f32 v10, v10;
	v59 =	vld [tilespmem:s16+$0xCA50]  }
0x10b: {  	v27 =	vmul.f32 v27, v27;
	v34 =	vsub.f32 v39, v42;
	v50 =	vsub.f32 v49, v50;
	v56 =	vld [tilespmem:s16+$0x4A50]  }
0x10c: {  	v28 =	vmul.f32 v28, v28;
	v31 =	vmul.f32 v31, v31;
	v47 =	vsub.f32 v38, v40;
	v57 =	vld [tilespmem:s16+$0xCA60]  }
0x10d: {  	v26 =	vsub.f32 v51, v52;
	v52 =	vmul.f32 v50, v50;
	v38 =	vsub.f32 v41, v43;
	[tilespmem:$0x1FF10] =	vst v0;
	v0 =	vld [tilespmem:s16+$0xCE50]  }
0x10e: {  	v30 =	vsub.f32 v30, v33;
	v34 =	vmul.f32 v34, v34;
	v33 =	vmul.f32 v47, v47;
	v54 =	vld [tilespmem:s16+$0x4A60]  }
0x10f: {  	v26 =	vmul.f32 v26, v26;
	v3 =	vadd.f32 v52, v3;
	v35 =	vmul.f32 v38, v38;
	v62 =	vld [tilespmem:s16+$0xCA70]  }
0x110: {  	v24 =	vmul.f32 v24, v24;
	v5 =	vadd.f32 v34, v5;
	v6 =	vadd.f32 v33, v6;
	v53 =	vld [tilespmem:s16+$0x4A70]  }
0x111: {  	v3 =	vadd.f32 v26, v3;
	v26 =	vmul.f32 v29, v29;
	v4 =	vadd.f32 v35, v4;
	v48 =	vld [tilespmem:s16+$0xCA00]  }
0x112: {  	v29 =	vmul.f32 v30, v30;
	v6 =	vadd.f32 v28, v6;
	v28 =	vmul.f32 v36, v36;
	[tilespmem:$0x1FF20] =	vst v0;
	v0 =	vld [tilespmem:s16+$0x4E50]  }
0x113: {  	v5 =	vadd.f32 v31, v5;
	v4 =	vadd.f32 v24, v4;
	v24 =	vmul.f32 v37, v37;
	v47 =	vld [tilespmem:s16+$0x4A00]  }
0x114: {  	v9 =	vmul.f32 v9, v9;
	v3 =	vadd.f32 v29, v3;
	v6 =	vadd.f32 v28, v6;
	v46 =	vld [tilespmem:s16+$0xCA10]  }
0x115: {  	v5 =	vadd.f32 v24, v5;
	v24 =	vmul.f32 v32, v32;
	v4 =	vadd.f32 v27, v4;
	v45 =	vld [tilespmem:s16+$0x4A10]  }
0x116: {  	v7 =	vmul.f32 v7, v7;
	v3 =	vadd.f32 v19, v3;
	v6 =	vadd.f32 v26, v6;
	v41 =	vld [tilespmem:s16+$0xCA20]  }
0x117: {  	v5 =	vadd.f32 v24, v5;
	v24 =	vmul.f32 v25, v25;
	v4 =	vadd.f32 v20, v4;
	[tilespmem:$0x1FF30] =	vst v0;
	v0 =	vld [tilespmem:s16+$0xCE60]  }
0x118: {  	v19 =	vmul.f32 v21, v21;
	v3 =	vadd.f32 v13, v3;
	v6 =	vadd.f32 v23, v6;
	v35 =	vld [tilespmem:s16+$0x4A20]  }
0x119: {  	v5 =	vadd.f32 v24, v5;
	v4 =	vadd.f32 v14, v4;
	v14 =	vmul.f32 v22, v22;
	v49 =	vld [tilespmem:s16+$0xCA30]  }
0x11a: {  	v13 =	vmul.f32 v17, v17;
	v3 =	vadd.f32 v11, v3;
	v6 =	vadd.f32 v19, v6;
	v50 =	vld [tilespmem:s16+$0x4A30]  }
0x11b: {  	v5 =	vadd.f32 v14, v5;
	v14 =	vmul.f32 v18, v18;
	v4 =	vadd.f32 v12, v4;
	v36 =	vld [tilespmem:s16+$0xC640]  }
0x11c: {  	v3 =	vadd.f32 v9, v3;
	v12 =	vmul.f32 v16, v16;
	v6 =	vadd.f32 v13, v6;
	[tilespmem:$0x1FF40] =	vst v0;
	v0 =	vld [tilespmem:s16+$0x4E60]  }
0x11d: {  	v5 =	vadd.f32 v14, v5;
	v13 =	vmul.f32 v8, v8;
	v4 =	vadd.f32 v10, v4;
	v51 =	vld [tilespmem:s16+$0x4640]  }
0x11e: {  	v7 =	vadd.f32 v7, v3;
	v3 =	vld [tilespmem:$0x1FF00]  }
0x11f: {  	v8 =	vadd.f32 v12, v5;
	v5 =	vadd.f32 v13, v4;
	v4 =	vld [tilespmem:$0x1FF10]  }
0x120: {  	v52 =	vld [tilespmem:s16+$0xC650]  }
0x121: {  	[tilespmem:$0x1FF50] =	vst v0;
	v0 =	vld [tilespmem:s16+$0xCE70]  }
0x122: {  	v38 =	vld [tilespmem:s16+$0x4650]  }
0x123: {  	v44 =	vld [tilespmem:s16+$0xC660]  }
0x124: {  	v29 =	vsub.f32 v3, v4;
	v3 =	vld [tilespmem:$0x1FF20]  }
0x125: {  	v4 =	vld [tilespmem:$0x1FF30]  }
0x126: {  	[tilespmem:$0x1FF70] =	vst v0;
	v0 =	vld [tilespmem:s16+$0x4E70]  }
0x127: {  	v39 =	vld [tilespmem:s16+$0x4660]  }
0x128: {  	v43 =	vld [tilespmem:s16+$0xC670]  }
0x129: {  	v42 =	vld [tilespmem:s16+$0x4670]  }
0x12a: {  	v18 =	vsub.f32 v3, v4;
	v3 =	vld [tilespmem:$0x1FF40]  }
0x12b: {  	[tilespmem:$0x1FF80] =	vst v0;
	v0 =	vld [tilespmem:s16+$0xCE00]  }
0x12c: {  	v4 =	vld [tilespmem:$0x1FF50]  }
0x12d: {  	v40 =	vld [tilespmem:s16+$0xC600]  }
0x12e: {  	v20 =	vld [tilespmem:s16+$0x4600]  }
0x12f: {  	v25 =	vld [tilespmem:s16+$0xC610]  }
0x130: {  	[tilespmem:$0x1FF60] =	vst v0;
	v0 =	vld [tilespmem:s16+$0xCE10]  }
0x131: {  	v4 =	vsub.f32 v3, v4;
	v3 =	vld [tilespmem:$0x1FF60]  }
0x132: {  	v2 =	vld [tilespmem:s16+$0x4610]  }
0x133: {  	v1 =	vld [tilespmem:s16+$0xC620]  }
0x134: {  	v9 =	vld [tilespmem:$0x1FF80]  }
0x135: {  	[tilespmem:$0x1FF90] =	vst v0;
	v0 =	vld [tilespmem:s16+$0x4E10]  }
0x136: {  	v30 =	vsub.f32 v3, v60;
	v3 =	vld [tilespmem:$0x1FF70]  }
0x137: {  	v26 =	vld [tilespmem:s16+$0xC630]  }
0x138: {  	v28 =	vld [tilespmem:s16+$0x4630]  }
0x139: {  	v27 =	vld [tilespmem:s16+$0xC240]  }
0x13a: {  	[tilespmem:$0x1FFA0] =	vst v0;
	v0 =	vld [tilespmem:s16+$0xCE20]  }
0x13b: {  	v3 =	vsub.f32 v3, v9;
	v9 =	vld [tilespmem:$0x1FF90]  }
0x13c: {  	v10 =	vld [tilespmem:$0x1FFA0]  }
0x13d: {  	v16 =	vld [tilespmem:s16+$0x4240]  }
0x13e: {  	v11 =	vmul.f32 v15, v15;
	v15 =	vld [tilespmem:s16+$0xC250]  }
0x13f: {  	v17 =	vld [tilespmem:s16+$0x4250]  }
0x140: {  	[tilespmem:$0x1FFB0] =	vst v0;
	v0 =	vld [tilespmem:s16+$0xCE30]  }
0x141: {  	v24 =	vsub.f32 v9, v10;
	v9 =	vld [tilespmem:$0x1FFB0]  }
0x142: {  	v19 =	vld [tilespmem:s16+$0xC260]  }
0x143: {  	v6 =	vadd.f32 v11, v6;
	v22 =	vld [tilespmem:s16+$0x4260];
	v23 =	vsub.f32 v58, v55  }
0x144: {  	v33 =	vld [tilespmem:s16+$0xC200];
	v32 =	vsub.f32 v59, v56;
	v12 =	vsub.f32 v57, v54  }
0x145: {  	v31 =	vsub.f32 v48, v47;
	v11 =	vsub.f32 v62, v53;
	[tilespmem:$0x1FFC0] =	vst v0;
	v0 =	vld [tilespmem:s16+$0x4620]  }
0x146: {  	v34 =	vsub.f32 v46, v45;
	v10 =	vsub.f32 v9, v61;
	v9 =	vld [tilespmem:$0x1FFC0]  }
0x147: {  	v37 =	vld [tilespmem:s16+$0x4200];
	v14 =	vsub.f32 v41, v35;
	v36 =	vsub.f32 v36, v51  }
0x148: {  	v35 =	vld [tilespmem:s16+$0xC210];
	v13 =	vsub.f32 v49, v50;
	v38 =	vsub.f32 v52, v38  }
0x149: {  	v41 =	vld [tilespmem:s16+$0x4210];
	v21 =	vsub.f32 v44, v39;
	v40 =	vsub.f32 v40, v20  }
0x14a: {  	v39 =	vld [tilespmem:s16+$0xC220];
	v20 =	vsub.f32 v43, v42;
	v42 =	vsub.f32 v25, v2  }
0x14b: {  	s18 =	simm.s32 $0x200;
	v43 =	vld [tilespmem:s16+$0x4220];
	v25 =	vsub.f32 v1, v0;
	v9 =	vsub.f32 v9, v63  }
.LBB2_5:
0x14c: {  	p0 =	sne.s32 s18, $0x3E00;
	v0 =	vld [tilespmem:s16+$0xC230];
	v1 =	vsub.f32 v26, v28;
	v2 =	vmul.f32 v29, v29;
	v26 =	vmul.f32 v18, v18  }
0x14d: {  	v27 =	vsub.f32 v27, v16;
	v28 =	vmul.f32 v30, v30;
	v29 =	vmul.f32 v24, v24;
	s17 =	sadd.s32 $0x80, s17;
	v18 =	vld [tilespmem:s16+$0x4230]  }
0x14e: {  	s13 =	sand.u32 $0x3000, s18;
	v24 =	vsub.f32 v15, v17;
	v44 =	vmul.f32 v23, v23;
	v32 =	vmul.f32 v32, v32;
	s19 =	sand.u32 $0x380, s17;
	v30 =	vld [tilespmem:s16+$0xC270]  }
0x14f: {  	v23 =	vsub.f32 v33, v37;
	v31 =	vmul.f32 v31, v31;
	v34 =	vmul.f32 v34, v34;
	v33 =	vld [tilespmem:s16+$0x4270];
	s16 =	sor.u32 s19, s13  }
0x150: {  	v36 =	vmul.f32 v36, v36;
	v37 =	vmul.f32 v38, v38;
	v35 =	vsub.f32 v35, v41;
	v15 =	vld [tilespmem:s16+$0xCE40]  }
0x151: {  	v38 =	vsub.f32 v39, v43;
	v39 =	vmul.f32 v40, v40;
	v40 =	vmul.f32 v42, v42;
	v16 =	vld [tilespmem:s16+$0x4E40]  }
0x152: {  	v27 =	vmul.f32 v27, v27;
	v41 =	vmul.f32 v24, v24;
	v17 =	vld [tilespmem:s16+$0xCE50];
	v0 =	vsub.f32 v0, v18  }
0x153: {  	v23 =	vmul.f32 v23, v23;
	v24 =	vmul.f32 v35, v35;
	v35 =	vsub.f32 v19, v22;
	v18 =	vld [tilespmem:s16+$0x4E50]  }
0x154: {  	v38 =	vmul.f32 v38, v38;
	v19 =	vld [tilespmem:s16+$0xCE60];
	v0 =	vmul.f32 v0, v0;
	v30 =	vsub.f32 v30, v33  }
0x155: {  	v6 =	vadd.f32 v23, v6;
	v8 =	vadd.f32 v24, v8;
	v33 =	vmul.f32 v35, v35;
	v22 =	vld [tilespmem:s16+$0x4E60]  }
0x156: {  	v5 =	vadd.f32 v38, v5;
	v23 =	vld [tilespmem:s16+$0xCE70];
	v0 =	vadd.f32 v0, v7;
	v7 =	vmul.f32 v30, v30  }
0x157: {  	v25 =	vmul.f32 v25, v25;
	v6 =	vadd.f32 v27, v6;
	v8 =	vadd.f32 v41, v8;
	v24 =	vld [tilespmem:s16+$0x4E70]  }
0x158: {  	v1 =	vmul.f32 v1, v1;
	v5 =	vadd.f32 v33, v5;
	v30 =	vld [tilespmem:s16+$0xCE00];
	v0 =	vadd.f32 v7, v0  }
0x159: {  	v6 =	vadd.f32 v39, v6;
	v7 =	vadd.f32 v40, v8;
	v8 =	vmul.f32 v21, v21;
	v33 =	vld [tilespmem:s16+$0x4E00]  }
0x15a: {  	v5 =	vadd.f32 v25, v5;
	v21 =	vld [tilespmem:s16+$0xCE10];
	v0 =	vadd.f32 v1, v0;
	v1 =	vmul.f32 v20, v20  }
0x15b: {  	v14 =	vmul.f32 v14, v14;
	v6 =	vadd.f32 v36, v6;
	v7 =	vadd.f32 v37, v7;
	v20 =	vld [tilespmem:s16+$0x4E10]  }
0x15c: {  	v5 =	vadd.f32 v8, v5;
	v25 =	vld [tilespmem:s16+$0xCE20];
	v0 =	vadd.f32 v1, v0;
	v1 =	vmul.f32 v13, v13  }
0x15d: {  	v6 =	vadd.f32 v31, v6;
	v8 =	vmul.f32 v12, v12;
	v7 =	vadd.f32 v34, v7;
	v13 =	vld [tilespmem:s16+$0x4E20]  }
0x15e: {  	v5 =	vadd.f32 v14, v5;
	v12 =	vld [tilespmem:s16+$0xCE30];
	v0 =	vadd.f32 v1, v0;
	v1 =	vmul.f32 v11, v11  }
0x15f: {  	v10 =	vmul.f32 v10, v10;
	v6 =	vadd.f32 v44, v6;
	v7 =	vadd.f32 v32, v7;
	v11 =	vld [tilespmem:s16+$0x4E30]  }
0x160: {  	v5 =	vadd.f32 v8, v5;
	v14 =	vld [tilespmem:s16+$0xCA40];
	v0 =	vadd.f32 v1, v0;
	v1 =	vmul.f32 v9, v9  }
0x161: {  	v4 =	vmul.f32 v4, v4;
	v6 =	vadd.f32 v28, v6;
	v7 =	vadd.f32 v29, v7;
	v9 =	vld [tilespmem:s16+$0x4A40]  }
0x162: {  	v5 =	vadd.f32 v10, v5;
	v31 =	vld [tilespmem:s16+$0xCA50];
	v0 =	vadd.f32 v1, v0;
	v1 =	vmul.f32 v3, v3  }
0x163: {  	v6 =	vadd.f32 v2, v6;
	v8 =	vadd.f32 v26, v7;
	v32 =	vld [tilespmem:s16+$0x4A50]  }
0x164: {  	v5 =	vadd.f32 v4, v5;
	v2 =	vld [tilespmem:s16+$0xCA60];
	v7 =	vadd.f32 v1, v0  }
0x165: {  	v0 =	vld [tilespmem:s16+$0x4A60]  }
0x166: {  	v1 =	vld [tilespmem:s16+$0xCA70]  }
0x167: {  	v34 =	vld [tilespmem:s16+$0x4A70]  }
0x168: {  	v35 =	vld [tilespmem:s16+$0xCA00]  }
0x169: {  	v36 =	vld [tilespmem:s16+$0x4A00]  }
0x16a: {  	v38 =	vld [tilespmem:s16+$0xCA10]  }
0x16b: {  	v39 =	vld [tilespmem:s16+$0x4A10]  }
0x16c: {  	v40 =	vld [tilespmem:s16+$0xCA20]  }
0x16d: {  	v41 =	vld [tilespmem:s16+$0x4A20]  }
0x16e: {  	v42 =	vld [tilespmem:s16+$0xCA30]  }
0x16f: {  	v43 =	vld [tilespmem:s16+$0x4A30]  }
0x170: {  	v44 =	vld [tilespmem:s16+$0xC640]  }
0x171: {  	v45 =	vld [tilespmem:s16+$0x4640]  }
0x172: {  	v46 =	vld [tilespmem:s16+$0xC650]  }
0x173: {  	v47 =	vld [tilespmem:s16+$0x4650]  }
0x174: {  	v48 =	vld [tilespmem:s16+$0xC660]  }
0x175: {  	v49 =	vld [tilespmem:s16+$0x4660]  }
0x176: {  	v50 =	vld [tilespmem:s16+$0xC670]  }
0x177: {  	v51 =	vld [tilespmem:s16+$0x4670]  }
0x178: {  	v52 =	vld [tilespmem:s16+$0xC600]  }
0x179: {  	v53 =	vld [tilespmem:s16+$0x4600]  }
0x17a: {  	v54 =	vld [tilespmem:s16+$0xC610]  }
0x17b: {  	v55 =	vld [tilespmem:s16+$0x4610]  }
0x17c: {  	v56 =	vld [tilespmem:s16+$0xC620]  }
0x17d: {  	v57 =	vld [tilespmem:s16+$0x4620]  }
0x17e: {  	v26 =	vld [tilespmem:s16+$0xC630]  }
0x17f: {  	v28 =	vld [tilespmem:s16+$0x4630]  }
0x180: {  	v29 =	vsub.f32 v15, v16;
	v27 =	vld [tilespmem:s16+$0xC240]  }
0x181: {  	v18 =	vsub.f32 v17, v18;
	v4 =	vsub.f32 v19, v22;
	v16 =	vld [tilespmem:s16+$0x4240]  }
0x182: {  	v30 =	vsub.f32 v30, v33;
	v3 =	vsub.f32 v23, v24;
	v15 =	vld [tilespmem:s16+$0xC250]  }
0x183: {  	v24 =	vsub.f32 v21, v20;
	v10 =	vsub.f32 v25, v13;
	v17 =	vld [tilespmem:s16+$0x4250]  }
0x184: {  	v23 =	vsub.f32 v14, v9;
	v9 =	vsub.f32 v12, v11;
	v19 =	vld [tilespmem:s16+$0xC260]  }
0x185: {  	v32 =	vsub.f32 v31, v32;
	v12 =	vsub.f32 v2, v0;
	v22 =	vld [tilespmem:s16+$0x4260]  }
0x186: {  	v11 =	vsub.f32 v1, v34;
	v31 =	vsub.f32 v35, v36;
	v33 =	vld [tilespmem:s16+$0xC200]  }
.Ltmp1:
0x187: {  	v34 =	vsub.f32 v38, v39;
	v14 =	vsub.f32 v40, v41;
	v37 =	vld [tilespmem:s16+$0x4200];
	(pc) =	sbr.rel @p0 .LBB2_5-.Ltmp1, $4  }
0x188: {  	v13 =	vsub.f32 v42, v43;
	v36 =	vsub.f32 v44, v45;
	v35 =	vld [tilespmem:s16+$0xC210]  }
0x189: {  	v38 =	vsub.f32 v46, v47;
	v21 =	vsub.f32 v48, v49;
	v41 =	vld [tilespmem:s16+$0x4210]  }
0x18a: {  	v20 =	vsub.f32 v50, v51;
	v40 =	vsub.f32 v52, v53;
	v39 =	vld [tilespmem:s16+$0xC220]  }
0x18b: {  	s18 =	sadd.s32 $0x200, s18;
	v42 =	vsub.f32 v54, v55;
	v25 =	vsub.f32 v56, v57;
	v43 =	vld [tilespmem:s16+$0x4220]  }
0x18c: {  	v2 =	vmul.f32 v29, v29  }
0x18d: {  	v0 =	vld [tilespmem:s16+$0xC230];
	v18 =	vmul.f32 v18, v18;
	v48 =	vmul.f32 v30, v30  }
0x18e: {  	v1 =	vsub.f32 v26, v28;
	v47 =	vld [tilespmem:s16+$0x4230];
	v24 =	vmul.f32 v24, v24;
	v23 =	vmul.f32 v23, v23  }
0x18f: {  	v16 =	vsub.f32 v27, v16;
	v49 =	vld [tilespmem:s16+$0xC270];
	v50 =	vmul.f32 v32, v32;
	v31 =	vmul.f32 v31, v31  }
0x190: {  	v15 =	vsub.f32 v15, v17;
	v52 =	vld [tilespmem:s16+$0x4270];
	v53 =	vmul.f32 v34, v34;
	v55 =	vmul.f32 v36, v36  }
0x191: {  	v51 =	vsub.f32 v33, v37;
	v56 =	vmul.f32 v38, v38;
	v58 =	vmul.f32 v40, v40  }
0x192: {  	v59 =	vmul.f32 v42, v42;
	v54 =	vsub.f32 v35, v41;
	v16 =	vmul.f32 v16, v16  }
0x193: {  	v15 =	vmul.f32 v15, v15;
	v57 =	vsub.f32 v39, v43;
	v0 =	vsub.f32 v0, v47  }
0x194: {  	v19 =	vsub.f32 v19, v22;
	v60 =	vmul.f32 v51, v51;
	v61 =	vmul.f32 v54, v54  }
0x195: {  	v17 =	vsub.f32 v49, v52;
	v62 =	vmul.f32 v57, v57;
	v0 =	vmul.f32 v0, v0  }
0x196: {  	v19 =	vmul.f32 v19, v19;
	v6 =	vadd.f32 v60, v6;
	v8 =	vadd.f32 v61, v8  }
0x197: {  	v5 =	vadd.f32 v62, v5;
	v0 =	vadd.f32 v0, v7;
	v7 =	vmul.f32 v17, v17  }
0x198: {  	v63 =	vmul.f32 v25, v25;
	v6 =	vadd.f32 v16, v6;
	v8 =	vadd.f32 v15, v8  }
0x199: {  	v1 =	vmul.f32 v1, v1;
	v5 =	vadd.f32 v19, v5;
	v0 =	vadd.f32 v7, v0  }
0x19a: {  	v6 =	vadd.f32 v58, v6;
	v7 =	vadd.f32 v59, v8;
	v8 =	vmul.f32 v21, v21  }
0x19b: {  	v5 =	vadd.f32 v63, v5;
	v0 =	vadd.f32 v1, v0;
	v1 =	vmul.f32 v20, v20  }
0x19c: {  	v14 =	vmul.f32 v14, v14;
	v6 =	vadd.f32 v55, v6;
	v7 =	vadd.f32 v56, v7  }
0x19d: {  	v5 =	vadd.f32 v8, v5;
	v0 =	vadd.f32 v1, v0;
	v1 =	vmul.f32 v13, v13  }
0x19e: {  	v6 =	vadd.f32 v31, v6;
	v8 =	vmul.f32 v12, v12;
	v7 =	vadd.f32 v53, v7  }
0x19f: {  	s15 =	sadd.s32 $0x1, s15;
	v5 =	vadd.f32 v14, v5;
	v0 =	vadd.f32 v1, v0;
	v1 =	vmul.f32 v11, v11  }
0x1a0: {  	v10 =	vmul.f32 v10, v10;
	p0 =	sne.s32 s15, $0x8;
	v6 =	vadd.f32 v23, v6;
	v7 =	vadd.f32 v50, v7  }
.Ltmp2:
0x1a1: {  	v5 =	vadd.f32 v8, v5;
	v0 =	vadd.f32 v1, v0;
	v1 =	vmul.f32 v9, v9;
	(pc) =	sbr.rel @p0 .LBB2_2-.Ltmp2, $4  }
0x1a2: {  	v4 =	vmul.f32 v4, v4;
	v6 =	vadd.f32 v48, v6;
	v7 =	vadd.f32 v24, v7  }
0x1a3: {  	v8 =	vadd.f32 v10, v5;
	v0 =	vadd.f32 v1, v0;
	v1 =	vmul.f32 v3, v3  }
0x1a4: {  	v6 =	vadd.f32 v2, v6;
	v5 =	vadd.f32 v18, v7  }
0x1a5: {  	v4 =	vadd.f32 v4, v8;
	v3 =	vadd.f32 v1, v0  }
0x1a6: {  	_ = 	snop  }
0x1a7: {  	v0 =	vadd.f32 v5, v6;
	v1 =	vadd.f32 v3, v4;
	_ =	sdelay $0x1  }
0x1a8: {  	s14 =	sadd.s32 $0x1, s14;
	v0 =	vadd.f32 v1, v0  }
0x1a9: {  	p0 =	sne.s32 s14, s10  }
.Ltmp3:
0x1aa: {  	s13 =	simm.s32 $0x10200;
	[tilespmem:$0x10200] =	vst v0;
	(pc) =	sbr.rel @p0 .LBB2_1-.Ltmp3, $4  }
0x1ab: {  	[hbm4b:s9+s4] =	stream.linear.scatter [tilespmem:s13], [sflag:$0x5], $0x80, $0x38;
	[tilespmem:$0x10280] =	vst v63  }
0x1ac: {  	_ =	swait.ge [sflag:s11], $0x80  }
0x1ad: {  	[sflag:s11] =	ssyncset.done $0x0  }
0x1ae: {  	[sflag:s11] =	ssyncadd.s32 $0xFFFFFF80  }
0x1af: {  	_ =	sfence.sel $0x180000  }
0x1b0: {  	[bflag:$0x0] =	sbarrier.arrive $0xFFFF  }
0x1b1: {  	_ =	strace $0x90000047  }
0x1b2: {  	s0 =	stileid.u32;
	[bflag:$0x2] =	sbarrier.arrive $0xFFFF  }
0x1b3: {  	p0 =	sne.s32 s0, $0x0;
	s0 =	rddreg [dreg:$0x4]  }
0x1b4: {  	s0 =	sadd.s32 @!p0 $0x100000, s0  }
0x1b5: {  	[sflag:s0] =	ssyncadd.tile.s32 @!p0 $0x1;
	_ =	shalt  }
.Lfunc_end2:
_tile_overlayer_lowered:
.L_overlay_start_2:
0x1b6: {  	(tag) =	ssettag $0x2  }
0x1b7: {  	s0 =	rddreg [dreg:$0x0];
	s2 =	stileid.u32  }
0x1b8: {  	s1 =	rddreg [dreg:$0x1];
	p0 =	sne.s32 s2, $0x0  }
0x1b9: {  	s3 =	rddreg [dreg:$0x2];
	[bflag:$0x3] =	sbarrier.arrive $0xFFFF;
	s2 =	simm.s32 @!p0 $0x1C05  }
0x1ba: {  	[timem:s3], [sflag:s2] =	dma.local @!p0 [hbm:s0], s1  }
0x1bb: {  	s0 =	simm.s32 @!p0 $0x5  }
0x1bc: {  	_ =	swait.ge @!p0 [sflag:s0], s1  }
0x1bd: {  	s1 =	ssub.s32 @!p0 $0x0, s1;
	[sflag:s0] =	ssyncset.done @!p0 $0x0  }
0x1be: {  	[sflag:s0] =	ssyncadd.s32 @!p0 s1  }
0x1bf: {  	[bflag:$0x3] =	sbarrier.arrive $0xFFFF  }
0x1c0: {  	_ =	shalt  }

</sc_bundles>
